<compile_context>
chip_gen: v7x
topology: tpu7x:2x2x1
jax: 0.10.2.dev20260603
libtpu: 0.0.44.dev20260713+nightly
codegen_flags: <defaults>
</compile_context>

<pallas_src>
import functools

import jax
import jax.numpy as jnp
from jax import lax
from jax.experimental import pallas as pl
from jax.experimental.pallas import tpu as pltpu
from jax.experimental.pallas import tpu_sc as plsc

_NC = 2
_NS = 16
_NW = _NC * _NS

_IDX_PER_STREAM = 128
_STREAMS_PER_CHUNK = 5
_CHUNK = _IDX_PER_STREAM * _STREAMS_PER_CHUNK


def _transpose_tc(w, vocab_pad, block_w):
    units = w.shape[0]

    def body(in_ref, out_ref):
        out_ref[...] = in_ref[...].T

    return pl.pallas_call(
        body,
        grid=(vocab_pad // block_w,),
        in_specs=[pl.BlockSpec((units, block_w), lambda i: (0, i))],
        out_specs=pl.BlockSpec((block_w, units), lambda i: (i, 0)),
        out_shape=jax.ShapeDtypeStruct((vocab_pad, units), w.dtype),
    )(w)


def _make_gather(vocab_pad, units, b):
    b_per_w = b // _NW
    n_chunks = b_per_w // _CHUNK
    n_pairs = n_chunks // 2
    rows = _STREAMS_PER_CHUNK

    mesh = plsc.VectorSubcoreMesh(core_axis_name="c", subcore_axis_name="s")

    @functools.partial(
        pl.kernel,
        mesh=mesh,
        compiler_params=pltpu.CompilerParams(use_tc_tiling_on_sc=False),
        out_type=jax.ShapeDtypeStruct((b, units), jnp.float32),
        scratch_types=[
            pltpu.VMEM((b_per_w // _IDX_PER_STREAM, _IDX_PER_STREAM),
                       jnp.int32),
            pltpu.VMEM((2, _CHUNK, units), jnp.float32),
            pltpu.SemaphoreType.DMA((2,)),
        ],
    )
    def gather_kernel(table_hbm, idx_hbm, out_hbm, idx_v, rows_v, gat_sem):
        wid = lax.axis_index("s") * _NC + lax.axis_index("c")
        base_row = wid * (b_per_w // _IDX_PER_STREAM)
        out_base = wid * b_per_w

        def fire(g, h):
            for j in range(_STREAMS_PER_CHUNK):
                pltpu.async_copy(
                    table_hbm.at[idx_v.at[g * rows + j]],
                    rows_v.at[h, pl.ds(j * _IDX_PER_STREAM, _IDX_PER_STREAM)],
                    gat_sem.at[h])

        def drain(g, h):
            for j in range(_STREAMS_PER_CHUNK):
                pltpu.make_async_copy(
                    table_hbm.at[idx_v.at[g * rows + j]],
                    rows_v.at[h, pl.ds(j * _IDX_PER_STREAM, _IDX_PER_STREAM)],
                    gat_sem.at[h]).wait()

        def write(g, h):
            pltpu.sync_copy(rows_v.at[h],
                            out_hbm.at[pl.ds(out_base + g * _CHUNK, _CHUNK)])

        pltpu.sync_copy(
            idx_hbm.at[pl.ds(base_row, b_per_w // _IDX_PER_STREAM)], idx_v)
        fire(0, 0)

        def pair_body(k, _):
            g = 2 * k
            drain(g, 0)
            fire(g + 1, 1)
            write(g, 0)
            drain(g + 1, 1)

            @pl.when(k + 1 < n_pairs)
            def _():
                fire(g + 2, 0)
            write(g + 1, 1)
            return ()

        lax.fori_loop(0, n_pairs, pair_body, (), unroll=False)

    return gather_kernel


def kernel(inputs, kernel):
    units, vocab = kernel.shape
    batch, hist = inputs.shape
    b = batch * hist

    vocab_pad = 102400
    table = _transpose_tc(kernel, vocab_pad, block_w=4096)

    idx = inputs.astype(jnp.int32).reshape(b // _IDX_PER_STREAM,
                                           _IDX_PER_STREAM)
    out = _make_gather(vocab_pad, units, b)(table, idx)
    return out.reshape(batch, hist, units)

# --- scband reference (transcript-rebuilt; emitter-appended) ---
"""Pipeline reference for scband-dense-transpose-embedding-28089086116128 (READ-ONLY COPY).

The authoritative reference and input builder live on the scoring server;
editing this copy changes nothing except your own understanding.
"""

import jax, jax.numpy as jnp
import numpy as np

VOCAB = 100000
UNITS = 64
BATCH = 16384
HIST = 50

def setup_inputs(seed: int = 0) -> dict:
    key = jax.random.key(seed)
    k1, k2 = jax.random.split(key)
    inputs = jax.random.randint(k1, (BATCH, HIST), 0, VOCAB, dtype=jnp.int64)
    # Dense layer kernel has shape [in_dim, out_dim] = [units, vocab];
    # the module gathers rows of kernel.T (shape [vocab, units]).
    kernel = jax.random.normal(k2, (UNITS, VOCAB), dtype=jnp.float32) * 0.02
    return {"inputs": inputs, "kernel": kernel}

def reference(inputs, kernel):
    # Faithful translation of DenseTransposeEmbedding.call:
    #   cast indices to int32, gather rows of the transposed Dense kernel.
    idx = inputs.astype(jnp.int32)
    table = kernel.T  # [vocab, units]
    out = jnp.take(table, idx, axis=0)  # [batch, hist, units]
    return out

if __name__ == "__main__":
    import jax
    _d = setup_inputs()
    print(jax.jit(kernel)(*tuple(_d.values())))

</pallas_src>

<mosaic_0001>
#map = affine_map<(d0, d1) -> (0, 0)>
module attributes {stable_mosaic.version = 14 : i64} {
  func.func @gather_kernel(%arg0: i32, %arg1: i32, %arg2: memref<102400x64xf32, #tpu.memory_space<hbm>>, %arg3: memref<6400x128xi32, #tpu.memory_space<hbm>>, %arg4: memref<819200x64xf32, #tpu.memory_space<hbm>>, %arg5: memref<200x128xi32, #tpu.memory_space<vmem>>, %arg6: memref<2x640x64xf32, #tpu.memory_space<vmem>>, %arg7: memref<2x!tpu.dma_semaphore, #tpu.memory_space<semaphore_mem>>) attributes {dimension_semantics = [#tpu.dimension_semantics<core_parallel>, #tpu.dimension_semantics<subcore_parallel>], iteration_bounds = array<i64: 2, 16>, scalar_prefetch = 0 : i64, scratch_operands = 3 : i64, tpu.core_type = #tpu.core_type<sc_vector_subcore>, window_params = [{transform_indices = #map}, {transform_indices = #map}, {transform_indices = #map}]} {
    %mul3A = arith.constant 2 : i32
    %mul3A_0 = arith.muli %arg1, %mul3A : i32
    %add3A = arith.addi %mul3A_0, %arg0 : i32
    %mul3A_1 = arith.constant 200 : i32
    %mul3A_2 = arith.muli %add3A, %mul3A_1 : i32
    %mul3A_3 = arith.constant 25600 : i32
    %mul3A_4 = arith.muli %add3A, %mul3A_3 : i32
    "tpu.region"() ({
      %run_scoped3A = tpu.sem_alloc : memref<!tpu.dma_semaphore, #tpu.memory_space<semaphore_mem>>
      %dma_start3A_83 = arith.constant 0 : i32
      %dma_start3A_84 = tpu.memref_slice %arg3[%mul3A_2, %dma_start3A_83] : memref<6400x128xi32, #tpu.memory_space<hbm>> -> memref<200x128xi32, #tpu.memory_space<hbm>>
      %dma_start3A_85 = arith.constant 0 : i32
      %dma_start3A_86 = tpu.memref_slice %arg3[%mul3A_2, %dma_start3A_85] : memref<6400x128xi32, #tpu.memory_space<hbm>> -> memref<200x128xi32, #tpu.memory_space<hbm>>
      tpu.enqueue_dma source(%dma_start3A_86 : memref<200x128xi32, #tpu.memory_space<hbm>>) target(%arg5 : memref<200x128xi32, #tpu.memory_space<vmem>>) target_semaphore(%run_scoped3A : memref<!tpu.dma_semaphore, #tpu.memory_space<semaphore_mem>>)
      %dma_wait3A = arith.constant 0 : i32
      %dma_wait3A_87 = tpu.memref_slice %arg3[%mul3A_2, %dma_wait3A] : memref<6400x128xi32, #tpu.memory_space<hbm>> -> memref<200x128xi32, #tpu.memory_space<hbm>>
      %dma_wait3A_88 = arith.constant 0 : i32
      %dma_wait3A_89 = tpu.memref_slice %arg3[%mul3A_2, %dma_wait3A_88] : memref<6400x128xi32, #tpu.memory_space<hbm>> -> memref<200x128xi32, #tpu.memory_space<hbm>>
      tpu.wait_dma2 semaphore(%run_scoped3A : memref<!tpu.dma_semaphore, #tpu.memory_space<semaphore_mem>>) src(%dma_wait3A_89 : memref<200x128xi32, #tpu.memory_space<hbm>>) dst(%arg5 : memref<200x128xi32, #tpu.memory_space<vmem>>)
      tpu.yield
    }) : () -> ()
    %dma_start3A = arith.constant 0 : i32
    %dma_start3A_5 = arith.constant 0 : i32
    %dma_start3A_6 = arith.constant 0 : i32
    %dma_start3A_7 = arith.constant 0 : i32
    %dma_start3A_8 = arith.constant 0 : i32
    %dma_start3A_9 = tpu.memref_slice %arg6[%dma_start3A_5, %dma_start3A_7, %dma_start3A_8] : memref<2x640x64xf32, #tpu.memory_space<vmem>> -> memref<1x128x64xf32, #tpu.memory_space<vmem>>
    %dma_start3A_10 = tpu.memref_squeeze %dma_start3A_9 : memref<1x128x64xf32, #tpu.memory_space<vmem>> -> memref<128x64xf32, #tpu.memory_space<vmem>>
    %dma_start3A_11 = arith.constant 0 : i32
    %dma_start3A_12 = tpu.memref_slice %arg5[%dma_start3A, %dma_start3A_11] : memref<200x128xi32, #tpu.memory_space<vmem>> -> memref<1x128xi32, #tpu.memory_space<vmem>>
    %dma_start3A_13 = tpu.memref_squeeze %dma_start3A_12 : memref<1x128xi32, #tpu.memory_space<vmem>> -> memref<128xi32, #tpu.memory_space<vmem>>
    %dma_start3A_14 = arith.constant 0 : i32
    %dma_start3A_15 = arith.constant 0 : i32
    %dma_start3A_16 = tpu.memref_slice %arg2[%dma_start3A_14, %dma_start3A_15] : memref<102400x64xf32, #tpu.memory_space<hbm>> -> memref<102400x64xf32, #tpu.memory_space<hbm>>
    %dma_start3A_17 = tpu.memref_slice %arg7[%dma_start3A_6] : memref<2x!tpu.dma_semaphore, #tpu.memory_space<semaphore_mem>> -> memref<1x!tpu.dma_semaphore, #tpu.memory_space<semaphore_mem>>
    %dma_start3A_18 = tpu.memref_squeeze %dma_start3A_17 : memref<1x!tpu.dma_semaphore, #tpu.memory_space<semaphore_mem>> -> memref<!tpu.dma_semaphore, #tpu.memory_space<semaphore_mem>>
    tpu.enqueue_indirect_dma source(%dma_start3A_16 : memref<102400x64xf32, #tpu.memory_space<hbm>>) target(%dma_start3A_10 : memref<128x64xf32, #tpu.memory_space<vmem>>) offsets(%dma_start3A_13 : memref<128xi32, #tpu.memory_space<vmem>>) semaphore(%dma_start3A_18 : memref<!tpu.dma_semaphore, #tpu.memory_space<semaphore_mem>>)
    %dma_start3A_19 = arith.constant 1 : i32
    %dma_start3A_20 = arith.constant 0 : i32
    %dma_start3A_21 = arith.constant 0 : i32
    %dma_start3A_22 = arith.constant 128 : i32
    %dma_start3A_23 = arith.constant 0 : i32
    %dma_start3A_24 = tpu.memref_slice %arg6[%dma_start3A_20, %dma_start3A_22, %dma_start3A_23] : memref<2x640x64xf32, #tpu.memory_space<vmem>> -> memref<1x128x64xf32, #tpu.memory_space<vmem>>
    %dma_start3A_25 = tpu.memref_squeeze %dma_start3A_24 : memref<1x128x64xf32, #tpu.memory_space<vmem>> -> memref<128x64xf32, #tpu.memory_space<vmem>>
    %dma_start3A_26 = arith.constant 0 : i32
    %dma_start3A_27 = tpu.memref_slice %arg5[%dma_start3A_19, %dma_start3A_26] : memref<200x128xi32, #tpu.memory_space<vmem>> -> memref<1x128xi32, #tpu.memory_space<vmem>>
    %dma_start3A_28 = tpu.memref_squeeze %dma_start3A_27 : memref<1x128xi32, #tpu.memory_space<vmem>> -> memref<128xi32, #tpu.memory_space<vmem>>
    %dma_start3A_29 = arith.constant 0 : i32
    %dma_start3A_30 = arith.constant 0 : i32
    %dma_start3A_31 = tpu.memref_slice %arg2[%dma_start3A_29, %dma_start3A_30] : memref<102400x64xf32, #tpu.memory_space<hbm>> -> memref<102400x64xf32, #tpu.memory_space<hbm>>
    %dma_start3A_32 = tpu.memref_slice %arg7[%dma_start3A_21] : memref<2x!tpu.dma_semaphore, #tpu.memory_space<semaphore_mem>> -> memref<1x!tpu.dma_semaphore, #tpu.memory_space<semaphore_mem>>
    %dma_start3A_33 = tpu.memref_squeeze %dma_start3A_32 : memref<1x!tpu.dma_semaphore, #tpu.memory_space<semaphore_mem>> -> memref<!tpu.dma_semaphore, #tpu.memory_space<semaphore_mem>>
    tpu.enqueue_indirect_dma source(%dma_start3A_31 : memref<102400x64xf32, #tpu.memory_space<hbm>>) target(%dma_start3A_25 : memref<128x64xf32, #tpu.memory_space<vmem>>) offsets(%dma_start3A_28 : memref<128xi32, #tpu.memory_space<vmem>>) semaphore(%dma_start3A_33 : memref<!tpu.dma_semaphore, #tpu.memory_space<semaphore_mem>>)
    %dma_start3A_34 = arith.constant 2 : i32
    %dma_start3A_35 = arith.constant 0 : i32
    %dma_start3A_36 = arith.constant 0 : i32
    %dma_start3A_37 = arith.constant 256 : i32
    %dma_start3A_38 = arith.constant 0 : i32
    %dma_start3A_39 = tpu.memref_slice %arg6[%dma_start3A_35, %dma_start3A_37, %dma_start3A_38] : memref<2x640x64xf32, #tpu.memory_space<vmem>> -> memref<1x128x64xf32, #tpu.memory_space<vmem>>
    %dma_start3A_40 = tpu.memref_squeeze %dma_start3A_39 : memref<1x128x64xf32, #tpu.memory_space<vmem>> -> memref<128x64xf32, #tpu.memory_space<vmem>>
    %dma_start3A_41 = arith.constant 0 : i32
    %dma_start3A_42 = tpu.memref_slice %arg5[%dma_start3A_34, %dma_start3A_41] : memref<200x128xi32, #tpu.memory_space<vmem>> -> memref<1x128xi32, #tpu.memory_space<vmem>>
    %dma_start3A_43 = tpu.memref_squeeze %dma_start3A_42 : memref<1x128xi32, #tpu.memory_space<vmem>> -> memref<128xi32, #tpu.memory_space<vmem>>
    %dma_start3A_44 = arith.constant 0 : i32
    %dma_start3A_45 = arith.constant 0 : i32
    %dma_start3A_46 = tpu.memref_slice %arg2[%dma_start3A_44, %dma_start3A_45] : memref<102400x64xf32, #tpu.memory_space<hbm>> -> memref<102400x64xf32, #tpu.memory_space<hbm>>
    %dma_start3A_47 = tpu.memref_slice %arg7[%dma_start3A_36] : memref<2x!tpu.dma_semaphore, #tpu.memory_space<semaphore_mem>> -> memref<1x!tpu.dma_semaphore, #tpu.memory_space<semaphore_mem>>
    %dma_start3A_48 = tpu.memref_squeeze %dma_start3A_47 : memref<1x!tpu.dma_semaphore, #tpu.memory_space<semaphore_mem>> -> memref<!tpu.dma_semaphore, #tpu.memory_space<semaphore_mem>>
    tpu.enqueue_indirect_dma source(%dma_start3A_46 : memref<102400x64xf32, #tpu.memory_space<hbm>>) target(%dma_start3A_40 : memref<128x64xf32, #tpu.memory_space<vmem>>) offsets(%dma_start3A_43 : memref<128xi32, #tpu.memory_space<vmem>>) semaphore(%dma_start3A_48 : memref<!tpu.dma_semaphore, #tpu.memory_space<semaphore_mem>>)
    %dma_start3A_49 = arith.constant 3 : i32
    %dma_start3A_50 = arith.constant 0 : i32
    %dma_start3A_51 = arith.constant 0 : i32
    %dma_start3A_52 = arith.constant 384 : i32
    %dma_start3A_53 = arith.constant 0 : i32
    %dma_start3A_54 = tpu.memref_slice %arg6[%dma_start3A_50, %dma_start3A_52, %dma_start3A_53] : memref<2x640x64xf32, #tpu.memory_space<vmem>> -> memref<1x128x64xf32, #tpu.memory_space<vmem>>
    %dma_start3A_55 = tpu.memref_squeeze %dma_start3A_54 : memref<1x128x64xf32, #tpu.memory_space<vmem>> -> memref<128x64xf32, #tpu.memory_space<vmem>>
    %dma_start3A_56 = arith.constant 0 : i32
    %dma_start3A_57 = tpu.memref_slice %arg5[%dma_start3A_49, %dma_start3A_56] : memref<200x128xi32, #tpu.memory_space<vmem>> -> memref<1x128xi32, #tpu.memory_space<vmem>>
    %dma_start3A_58 = tpu.memref_squeeze %dma_start3A_57 : memref<1x128xi32, #tpu.memory_space<vmem>> -> memref<128xi32, #tpu.memory_space<vmem>>
    %dma_start3A_59 = arith.constant 0 : i32
    %dma_start3A_60 = arith.constant 0 : i32
    %dma_start3A_61 = tpu.memref_slice %arg2[%dma_start3A_59, %dma_start3A_60] : memref<102400x64xf32, #tpu.memory_space<hbm>> -> memref<102400x64xf32, #tpu.memory_space<hbm>>
    %dma_start3A_62 = tpu.memref_slice %arg7[%dma_start3A_51] : memref<2x!tpu.dma_semaphore, #tpu.memory_space<semaphore_mem>> -> memref<1x!tpu.dma_semaphore, #tpu.memory_space<semaphore_mem>>
    %dma_start3A_63 = tpu.memref_squeeze %dma_start3A_62 : memref<1x!tpu.dma_semaphore, #tpu.memory_space<semaphore_mem>> -> memref<!tpu.dma_semaphore, #tpu.memory_space<semaphore_mem>>
    tpu.enqueue_indirect_dma source(%dma_start3A_61 : memref<102400x64xf32, #tpu.memory_space<hbm>>) target(%dma_start3A_55 : memref<128x64xf32, #tpu.memory_space<vmem>>) offsets(%dma_start3A_58 : memref<128xi32, #tpu.memory_space<vmem>>) semaphore(%dma_start3A_63 : memref<!tpu.dma_semaphore, #tpu.memory_space<semaphore_mem>>)
    %dma_start3A_64 = arith.constant 4 : i32
    %dma_start3A_65 = arith.constant 0 : i32
    %dma_start3A_66 = arith.constant 0 : i32
    %dma_start3A_67 = arith.constant 512 : i32
    %dma_start3A_68 = arith.constant 0 : i32
    %dma_start3A_69 = tpu.memref_slice %arg6[%dma_start3A_65, %dma_start3A_67, %dma_start3A_68] : memref<2x640x64xf32, #tpu.memory_space<vmem>> -> memref<1x128x64xf32, #tpu.memory_space<vmem>>
    %dma_start3A_70 = tpu.memref_squeeze %dma_start3A_69 : memref<1x128x64xf32, #tpu.memory_space<vmem>> -> memref<128x64xf32, #tpu.memory_space<vmem>>
    %dma_start3A_71 = arith.constant 0 : i32
    %dma_start3A_72 = tpu.memref_slice %arg5[%dma_start3A_64, %dma_start3A_71] : memref<200x128xi32, #tpu.memory_space<vmem>> -> memref<1x128xi32, #tpu.memory_space<vmem>>
    %dma_start3A_73 = tpu.memref_squeeze %dma_start3A_72 : memref<1x128xi32, #tpu.memory_space<vmem>> -> memref<128xi32, #tpu.memory_space<vmem>>
    %dma_start3A_74 = arith.constant 0 : i32
    %dma_start3A_75 = arith.constant 0 : i32
    %dma_start3A_76 = tpu.memref_slice %arg2[%dma_start3A_74, %dma_start3A_75] : memref<102400x64xf32, #tpu.memory_space<hbm>> -> memref<102400x64xf32, #tpu.memory_space<hbm>>
    %dma_start3A_77 = tpu.memref_slice %arg7[%dma_start3A_66] : memref<2x!tpu.dma_semaphore, #tpu.memory_space<semaphore_mem>> -> memref<1x!tpu.dma_semaphore, #tpu.memory_space<semaphore_mem>>
    %dma_start3A_78 = tpu.memref_squeeze %dma_start3A_77 : memref<1x!tpu.dma_semaphore, #tpu.memory_space<semaphore_mem>> -> memref<!tpu.dma_semaphore, #tpu.memory_space<semaphore_mem>>
    tpu.enqueue_indirect_dma source(%dma_start3A_76 : memref<102400x64xf32, #tpu.memory_space<hbm>>) target(%dma_start3A_70 : memref<128x64xf32, #tpu.memory_space<vmem>>) offsets(%dma_start3A_73 : memref<128xi32, #tpu.memory_space<vmem>>) semaphore(%dma_start3A_78 : memref<!tpu.dma_semaphore, #tpu.memory_space<semaphore_mem>>)
    %scan3A = arith.constant 0 : i32
    %scan3A_79 = arith.constant 20 : i32
    %scan3A_80 = arith.addi %scan3A, %scan3A_79 : i32
    %scan3A_81 = arith.constant 1 : i32
    scf.for %scan3A_83 = %scan3A to %scan3A_80 step %scan3A_81  : i32 {
      %mul3A_84 = arith.constant 2 : i32
      %mul3A_85 = arith.muli %mul3A_84, %scan3A_83 : i32
      %mul3A_86 = arith.constant 5 : i32
      %mul3A_87 = arith.muli %mul3A_85, %mul3A_86 : i32
      %add3A_88 = arith.constant 0 : i32
      %add3A_89 = arith.addi %mul3A_87, %add3A_88 : i32
      %dma_wait3A = arith.constant 0 : i32
      %dma_wait3A_90 = arith.constant 0 : i32
      %dma_wait3A_91 = arith.constant 0 : i32
      %dma_wait3A_92 = arith.constant 0 : i32
      %dma_wait3A_93 = tpu.memref_slice %arg6[%dma_wait3A, %dma_wait3A_91, %dma_wait3A_92] : memref<2x640x64xf32, #tpu.memory_space<vmem>> -> memref<1x128x64xf32, #tpu.memory_space<vmem>>
      %dma_wait3A_94 = tpu.memref_squeeze %dma_wait3A_93 : memref<1x128x64xf32, #tpu.memory_space<vmem>> -> memref<128x64xf32, #tpu.memory_space<vmem>>
      %dma_wait3A_95 = arith.constant 0 : i32
      %dma_wait3A_96 = tpu.memref_slice %arg5[%add3A_89, %dma_wait3A_95] : memref<200x128xi32, #tpu.memory_space<vmem>> -> memref<1x128xi32, #tpu.memory_space<vmem>>
      %dma_wait3A_97 = tpu.memref_squeeze %dma_wait3A_96 : memref<1x128xi32, #tpu.memory_space<vmem>> -> memref<128xi32, #tpu.memory_space<vmem>>
      %dma_wait3A_98 = arith.constant 0 : i32
      %dma_wait3A_99 = arith.constant 0 : i32
      %dma_wait3A_100 = tpu.memref_slice %arg2[%dma_wait3A_98, %dma_wait3A_99] : memref<102400x64xf32, #tpu.memory_space<hbm>> -> memref<102400x64xf32, #tpu.memory_space<hbm>>
      %dma_wait3A_101 = tpu.memref_slice %arg7[%dma_wait3A_90] : memref<2x!tpu.dma_semaphore, #tpu.memory_space<semaphore_mem>> -> memref<1x!tpu.dma_semaphore, #tpu.memory_space<semaphore_mem>>
      %dma_wait3A_102 = tpu.memref_squeeze %dma_wait3A_101 : memref<1x!tpu.dma_semaphore, #tpu.memory_space<semaphore_mem>> -> memref<!tpu.dma_semaphore, #tpu.memory_space<semaphore_mem>>
      tpu.wait_indirect_dma semaphore(%dma_wait3A_102 : memref<!tpu.dma_semaphore, #tpu.memory_space<semaphore_mem>>) src(%dma_wait3A_100 : memref<102400x64xf32, #tpu.memory_space<hbm>>) dst(%dma_wait3A_94 : memref<128x64xf32, #tpu.memory_space<vmem>>)
      %mul3A_103 = arith.constant 5 : i32
      %mul3A_104 = arith.muli %mul3A_85, %mul3A_103 : i32
      %add3A_105 = arith.constant 1 : i32
      %add3A_106 = arith.addi %mul3A_104, %add3A_105 : i32
      %dma_wait3A_107 = arith.constant 0 : i32
      %dma_wait3A_108 = arith.constant 0 : i32
      %dma_wait3A_109 = arith.constant 128 : i32
      %dma_wait3A_110 = arith.constant 0 : i32
      %dma_wait3A_111 = tpu.memref_slice %arg6[%dma_wait3A_107, %dma_wait3A_109, %dma_wait3A_110] : memref<2x640x64xf32, #tpu.memory_space<vmem>> -> memref<1x128x64xf32, #tpu.memory_space<vmem>>
      %dma_wait3A_112 = tpu.memref_squeeze %dma_wait3A_111 : memref<1x128x64xf32, #tpu.memory_space<vmem>> -> memref<128x64xf32, #tpu.memory_space<vmem>>
      %dma_wait3A_113 = arith.constant 0 : i32
      %dma_wait3A_114 = tpu.memref_slice %arg5[%add3A_106, %dma_wait3A_113] : memref<200x128xi32, #tpu.memory_space<vmem>> -> memref<1x128xi32, #tpu.memory_space<vmem>>
      %dma_wait3A_115 = tpu.memref_squeeze %dma_wait3A_114 : memref<1x128xi32, #tpu.memory_space<vmem>> -> memref<128xi32, #tpu.memory_space<vmem>>
      %dma_wait3A_116 = arith.constant 0 : i32
      %dma_wait3A_117 = arith.constant 0 : i32
      %dma_wait3A_118 = tpu.memref_slice %arg2[%dma_wait3A_116, %dma_wait3A_117] : memref<102400x64xf32, #tpu.memory_space<hbm>> -> memref<102400x64xf32, #tpu.memory_space<hbm>>
      %dma_wait3A_119 = tpu.memref_slice %arg7[%dma_wait3A_108] : memref<2x!tpu.dma_semaphore, #tpu.memory_space<semaphore_mem>> -> memref<1x!tpu.dma_semaphore, #tpu.memory_space<semaphore_mem>>
      %dma_wait3A_120 = tpu.memref_squeeze %dma_wait3A_119 : memref<1x!tpu.dma_semaphore, #tpu.memory_space<semaphore_mem>> -> memref<!tpu.dma_semaphore, #tpu.memory_space<semaphore_mem>>
      tpu.wait_indirect_dma semaphore(%dma_wait3A_120 : memref<!tpu.dma_semaphore, #tpu.memory_space<semaphore_mem>>) src(%dma_wait3A_118 : memref<102400x64xf32, #tpu.memory_space<hbm>>) dst(%dma_wait3A_112 : memref<128x64xf32, #tpu.memory_space<vmem>>)
      %mul3A_121 = arith.constant 5 : i32
      %mul3A_122 = arith.muli %mul3A_85, %mul3A_121 : i32
      %add3A_123 = arith.constant 2 : i32
      %add3A_124 = arith.addi %mul3A_122, %add3A_123 : i32
      %dma_wait3A_125 = arith.constant 0 : i32
      %dma_wait3A_126 = arith.constant 0 : i32
      %dma_wait3A_127 = arith.constant 256 : i32
      %dma_wait3A_128 = arith.constant 0 : i32
      %dma_wait3A_129 = tpu.memref_slice %arg6[%dma_wait3A_125, %dma_wait3A_127, %dma_wait3A_128] : memref<2x640x64xf32, #tpu.memory_space<vmem>> -> memref<1x128x64xf32, #tpu.memory_space<vmem>>
      %dma_wait3A_130 = tpu.memref_squeeze %dma_wait3A_129 : memref<1x128x64xf32, #tpu.memory_space<vmem>> -> memref<128x64xf32, #tpu.memory_space<vmem>>
      %dma_wait3A_131 = arith.constant 0 : i32
      %dma_wait3A_132 = tpu.memref_slice %arg5[%add3A_124, %dma_wait3A_131] : memref<200x128xi32, #tpu.memory_space<vmem>> -> memref<1x128xi32, #tpu.memory_space<vmem>>
      %dma_wait3A_133 = tpu.memref_squeeze %dma_wait3A_132 : memref<1x128xi32, #tpu.memory_space<vmem>> -> memref<128xi32, #tpu.memory_space<vmem>>
      %dma_wait3A_134 = arith.constant 0 : i32
      %dma_wait3A_135 = arith.constant 0 : i32
      %dma_wait3A_136 = tpu.memref_slice %arg2[%dma_wait3A_134, %dma_wait3A_135] : memref<102400x64xf32, #tpu.memory_space<hbm>> -> memref<102400x64xf32, #tpu.memory_space<hbm>>
      %dma_wait3A_137 = tpu.memref_slice %arg7[%dma_wait3A_126] : memref<2x!tpu.dma_semaphore, #tpu.memory_space<semaphore_mem>> -> memref<1x!tpu.dma_semaphore, #tpu.memory_space<semaphore_mem>>
      %dma_wait3A_138 = tpu.memref_squeeze %dma_wait3A_137 : memref<1x!tpu.dma_semaphore, #tpu.memory_space<semaphore_mem>> -> memref<!tpu.dma_semaphore, #tpu.memory_space<semaphore_mem>>
      tpu.wait_indirect_dma semaphore(%dma_wait3A_138 : memref<!tpu.dma_semaphore, #tpu.memory_space<semaphore_mem>>) src(%dma_wait3A_136 : memref<102400x64xf32, #tpu.memory_space<hbm>>) dst(%dma_wait3A_130 : memref<128x64xf32, #tpu.memory_space<vmem>>)
      %mul3A_139 = arith.constant 5 : i32
      %mul3A_140 = arith.muli %mul3A_85, %mul3A_139 : i32
      %add3A_141 = arith.constant 3 : i32
      %add3A_142 = arith.addi %mul3A_140, %add3A_141 : i32
      %dma_wait3A_143 = arith.constant 0 : i32
      %dma_wait3A_144 = arith.constant 0 : i32
      %dma_wait3A_145 = arith.constant 384 : i32
      %dma_wait3A_146 = arith.constant 0 : i32
      %dma_wait3A_147 = tpu.memref_slice %arg6[%dma_wait3A_143, %dma_wait3A_145, %dma_wait3A_146] : memref<2x640x64xf32, #tpu.memory_space<vmem>> -> memref<1x128x64xf32, #tpu.memory_space<vmem>>
      %dma_wait3A_148 = tpu.memref_squeeze %dma_wait3A_147 : memref<1x128x64xf32, #tpu.memory_space<vmem>> -> memref<128x64xf32, #tpu.memory_space<vmem>>
      %dma_wait3A_149 = arith.constant 0 : i32
      %dma_wait3A_150 = tpu.memref_slice %arg5[%add3A_142, %dma_wait3A_149] : memref<200x128xi32, #tpu.memory_space<vmem>> -> memref<1x128xi32, #tpu.memory_space<vmem>>
      %dma_wait3A_151 = tpu.memref_squeeze %dma_wait3A_150 : memref<1x128xi32, #tpu.memory_space<vmem>> -> memref<128xi32, #tpu.memory_space<vmem>>
      %dma_wait3A_152 = arith.constant 0 : i32
      %dma_wait3A_153 = arith.constant 0 : i32
      %dma_wait3A_154 = tpu.memref_slice %arg2[%dma_wait3A_152, %dma_wait3A_153] : memref<102400x64xf32, #tpu.memory_space<hbm>> -> memref<102400x64xf32, #tpu.memory_space<hbm>>
      %dma_wait3A_155 = tpu.memref_slice %arg7[%dma_wait3A_144] : memref<2x!tpu.dma_semaphore, #tpu.memory_space<semaphore_mem>> -> memref<1x!tpu.dma_semaphore, #tpu.memory_space<semaphore_mem>>
      %dma_wait3A_156 = tpu.memref_squeeze %dma_wait3A_155 : memref<1x!tpu.dma_semaphore, #tpu.memory_space<semaphore_mem>> -> memref<!tpu.dma_semaphore, #tpu.memory_space<semaphore_mem>>
      tpu.wait_indirect_dma semaphore(%dma_wait3A_156 : memref<!tpu.dma_semaphore, #tpu.memory_space<semaphore_mem>>) src(%dma_wait3A_154 : memref<102400x64xf32, #tpu.memory_space<hbm>>) dst(%dma_wait3A_148 : memref<128x64xf32, #tpu.memory_space<vmem>>)
      %mul3A_157 = arith.constant 5 : i32
      %mul3A_158 = arith.muli %mul3A_85, %mul3A_157 : i32
      %add3A_159 = arith.constant 4 : i32
      %add3A_160 = arith.addi %mul3A_158, %add3A_159 : i32
      %dma_wait3A_161 = arith.constant 0 : i32
      %dma_wait3A_162 = arith.constant 0 : i32
      %dma_wait3A_163 = arith.constant 512 : i32
      %dma_wait3A_164 = arith.constant 0 : i32
      %dma_wait3A_165 = tpu.memref_slice %arg6[%dma_wait3A_161, %dma_wait3A_163, %dma_wait3A_164] : memref<2x640x64xf32, #tpu.memory_space<vmem>> -> memref<1x128x64xf32, #tpu.memory_space<vmem>>
      %dma_wait3A_166 = tpu.memref_squeeze %dma_wait3A_165 : memref<1x128x64xf32, #tpu.memory_space<vmem>> -> memref<128x64xf32, #tpu.memory_space<vmem>>
      %dma_wait3A_167 = arith.constant 0 : i32
      %dma_wait3A_168 = tpu.memref_slice %arg5[%add3A_160, %dma_wait3A_167] : memref<200x128xi32, #tpu.memory_space<vmem>> -> memref<1x128xi32, #tpu.memory_space<vmem>>
      %dma_wait3A_169 = tpu.memref_squeeze %dma_wait3A_168 : memref<1x128xi32, #tpu.memory_space<vmem>> -> memref<128xi32, #tpu.memory_space<vmem>>
      %dma_wait3A_170 = arith.constant 0 : i32
      %dma_wait3A_171 = arith.constant 0 : i32
      %dma_wait3A_172 = tpu.memref_slice %arg2[%dma_wait3A_170, %dma_wait3A_171] : memref<102400x64xf32, #tpu.memory_space<hbm>> -> memref<102400x64xf32, #tpu.memory_space<hbm>>
      %dma_wait3A_173 = tpu.memref_slice %arg7[%dma_wait3A_162] : memref<2x!tpu.dma_semaphore, #tpu.memory_space<semaphore_mem>> -> memref<1x!tpu.dma_semaphore, #tpu.memory_space<semaphore_mem>>
      %dma_wait3A_174 = tpu.memref_squeeze %dma_wait3A_173 : memref<1x!tpu.dma_semaphore, #tpu.memory_space<semaphore_mem>> -> memref<!tpu.dma_semaphore, #tpu.memory_space<semaphore_mem>>
      tpu.wait_indirect_dma semaphore(%dma_wait3A_174 : memref<!tpu.dma_semaphore, #tpu.memory_space<semaphore_mem>>) src(%dma_wait3A_172 : memref<102400x64xf32, #tpu.memory_space<hbm>>) dst(%dma_wait3A_166 : memref<128x64xf32, #tpu.memory_space<vmem>>)
      %add3A_175 = arith.constant 1 : i32
      %add3A_176 = arith.addi %mul3A_85, %add3A_175 : i32
      %mul3A_177 = arith.constant 5 : i32
      %mul3A_178 = arith.muli %add3A_176, %mul3A_177 : i32
      %add3A_179 = arith.constant 0 : i32
      %add3A_180 = arith.addi %mul3A_178, %add3A_179 : i32
      %dma_start3A_181 = arith.constant 1 : i32
      %dma_start3A_182 = arith.constant 1 : i32
      %dma_start3A_183 = arith.constant 0 : i32
      %dma_start3A_184 = arith.constant 0 : i32
      %dma_start3A_185 = tpu.memref_slice %arg6[%dma_start3A_181, %dma_start3A_183, %dma_start3A_184] : memref<2x640x64xf32, #tpu.memory_space<vmem>> -> memref<1x128x64xf32, #tpu.memory_space<vmem>>
      %dma_start3A_186 = tpu.memref_squeeze %dma_start3A_185 : memref<1x128x64xf32, #tpu.memory_space<vmem>> -> memref<128x64xf32, #tpu.memory_space<vmem>>
      %dma_start3A_187 = arith.constant 0 : i32
      %dma_start3A_188 = tpu.memref_slice %arg5[%add3A_180, %dma_start3A_187] : memref<200x128xi32, #tpu.memory_space<vmem>> -> memref<1x128xi32, #tpu.memory_space<vmem>>
      %dma_start3A_189 = tpu.memref_squeeze %dma_start3A_188 : memref<1x128xi32, #tpu.memory_space<vmem>> -> memref<128xi32, #tpu.memory_space<vmem>>
      %dma_start3A_190 = arith.constant 0 : i32
      %dma_start3A_191 = arith.constant 0 : i32
      %dma_start3A_192 = tpu.memref_slice %arg2[%dma_start3A_190, %dma_start3A_191] : memref<102400x64xf32, #tpu.memory_space<hbm>> -> memref<102400x64xf32, #tpu.memory_space<hbm>>
      %dma_start3A_193 = tpu.memref_slice %arg7[%dma_start3A_182] : memref<2x!tpu.dma_semaphore, #tpu.memory_space<semaphore_mem>> -> memref<1x!tpu.dma_semaphore, #tpu.memory_space<semaphore_mem>>
      %dma_start3A_194 = tpu.memref_squeeze %dma_start3A_193 : memref<1x!tpu.dma_semaphore, #tpu.memory_space<semaphore_mem>> -> memref<!tpu.dma_semaphore, #tpu.memory_space<semaphore_mem>>
      tpu.enqueue_indirect_dma source(%dma_start3A_192 : memref<102400x64xf32, #tpu.memory_space<hbm>>) target(%dma_start3A_186 : memref<128x64xf32, #tpu.memory_space<vmem>>) offsets(%dma_start3A_189 : memref<128xi32, #tpu.memory_space<vmem>>) semaphore(%dma_start3A_194 : memref<!tpu.dma_semaphore, #tpu.memory_space<semaphore_mem>>)
      %mul3A_195 = arith.constant 5 : i32
      %mul3A_196 = arith.muli %add3A_176, %mul3A_195 : i32
      %add3A_197 = arith.constant 1 : i32
      %add3A_198 = arith.addi %mul3A_196, %add3A_197 : i32
      %dma_start3A_199 = arith.constant 1 : i32
      %dma_start3A_200 = arith.constant 1 : i32
      %dma_start3A_201 = arith.constant 128 : i32
      %dma_start3A_202 = arith.constant 0 : i32
      %dma_start3A_203 = tpu.memref_slice %arg6[%dma_start3A_199, %dma_start3A_201, %dma_start3A_202] : memref<2x640x64xf32, #tpu.memory_space<vmem>> -> memref<1x128x64xf32, #tpu.memory_space<vmem>>
      %dma_start3A_204 = tpu.memref_squeeze %dma_start3A_203 : memref<1x128x64xf32, #tpu.memory_space<vmem>> -> memref<128x64xf32, #tpu.memory_space<vmem>>
      %dma_start3A_205 = arith.constant 0 : i32
      %dma_start3A_206 = tpu.memref_slice %arg5[%add3A_198, %dma_start3A_205] : memref<200x128xi32, #tpu.memory_space<vmem>> -> memref<1x128xi32, #tpu.memory_space<vmem>>
      %dma_start3A_207 = tpu.memref_squeeze %dma_start3A_206 : memref<1x128xi32, #tpu.memory_space<vmem>> -> memref<128xi32, #tpu.memory_space<vmem>>
      %dma_start3A_208 = arith.constant 0 : i32
      %dma_start3A_209 = arith.constant 0 : i32
      %dma_start3A_210 = tpu.memref_slice %arg2[%dma_start3A_208, %dma_start3A_209] : memref<102400x64xf32, #tpu.memory_space<hbm>> -> memref<102400x64xf32, #tpu.memory_space<hbm>>
      %dma_start3A_211 = tpu.memref_slice %arg7[%dma_start3A_200] : memref<2x!tpu.dma_semaphore, #tpu.memory_space<semaphore_mem>> -> memref<1x!tpu.dma_semaphore, #tpu.memory_space<semaphore_mem>>
      %dma_start3A_212 = tpu.memref_squeeze %dma_start3A_211 : memref<1x!tpu.dma_semaphore, #tpu.memory_space<semaphore_mem>> -> memref<!tpu.dma_semaphore, #tpu.memory_space<semaphore_mem>>
      tpu.enqueue_indirect_dma source(%dma_start3A_210 : memref<102400x64xf32, #tpu.memory_space<hbm>>) target(%dma_start3A_204 : memref<128x64xf32, #tpu.memory_space<vmem>>) offsets(%dma_start3A_207 : memref<128xi32, #tpu.memory_space<vmem>>) semaphore(%dma_start3A_212 : memref<!tpu.dma_semaphore, #tpu.memory_space<semaphore_mem>>)
      %mul3A_213 = arith.constant 5 : i32
      %mul3A_214 = arith.muli %add3A_176, %mul3A_213 : i32
      %add3A_215 = arith.constant 2 : i32
      %add3A_216 = arith.addi %mul3A_214, %add3A_215 : i32
      %dma_start3A_217 = arith.constant 1 : i32
      %dma_start3A_218 = arith.constant 1 : i32
      %dma_start3A_219 = arith.constant 256 : i32
      %dma_start3A_220 = arith.constant 0 : i32
      %dma_start3A_221 = tpu.memref_slice %arg6[%dma_start3A_217, %dma_start3A_219, %dma_start3A_220] : memref<2x640x64xf32, #tpu.memory_space<vmem>> -> memref<1x128x64xf32, #tpu.memory_space<vmem>>
      %dma_start3A_222 = tpu.memref_squeeze %dma_start3A_221 : memref<1x128x64xf32, #tpu.memory_space<vmem>> -> memref<128x64xf32, #tpu.memory_space<vmem>>
      %dma_start3A_223 = arith.constant 0 : i32
      %dma_start3A_224 = tpu.memref_slice %arg5[%add3A_216, %dma_start3A_223] : memref<200x128xi32, #tpu.memory_space<vmem>> -> memref<1x128xi32, #tpu.memory_space<vmem>>
      %dma_start3A_225 = tpu.memref_squeeze %dma_start3A_224 : memref<1x128xi32, #tpu.memory_space<vmem>> -> memref<128xi32, #tpu.memory_space<vmem>>
      %dma_start3A_226 = arith.constant 0 : i32
      %dma_start3A_227 = arith.constant 0 : i32
      %dma_start3A_228 = tpu.memref_slice %arg2[%dma_start3A_226, %dma_start3A_227] : memref<102400x64xf32, #tpu.memory_space<hbm>> -> memref<102400x64xf32, #tpu.memory_space<hbm>>
      %dma_start3A_229 = tpu.memref_slice %arg7[%dma_start3A_218] : memref<2x!tpu.dma_semaphore, #tpu.memory_space<semaphore_mem>> -> memref<1x!tpu.dma_semaphore, #tpu.memory_space<semaphore_mem>>
      %dma_start3A_230 = tpu.memref_squeeze %dma_start3A_229 : memref<1x!tpu.dma_semaphore, #tpu.memory_space<semaphore_mem>> -> memref<!tpu.dma_semaphore, #tpu.memory_space<semaphore_mem>>
      tpu.enqueue_indirect_dma source(%dma_start3A_228 : memref<102400x64xf32, #tpu.memory_space<hbm>>) target(%dma_start3A_222 : memref<128x64xf32, #tpu.memory_space<vmem>>) offsets(%dma_start3A_225 : memref<128xi32, #tpu.memory_space<vmem>>) semaphore(%dma_start3A_230 : memref<!tpu.dma_semaphore, #tpu.memory_space<semaphore_mem>>)
      %mul3A_231 = arith.constant 5 : i32
      %mul3A_232 = arith.muli %add3A_176, %mul3A_231 : i32
      %add3A_233 = arith.constant 3 : i32
      %add3A_234 = arith.addi %mul3A_232, %add3A_233 : i32
      %dma_start3A_235 = arith.constant 1 : i32
      %dma_start3A_236 = arith.constant 1 : i32
      %dma_start3A_237 = arith.constant 384 : i32
      %dma_start3A_238 = arith.constant 0 : i32
      %dma_start3A_239 = tpu.memref_slice %arg6[%dma_start3A_235, %dma_start3A_237, %dma_start3A_238] : memref<2x640x64xf32, #tpu.memory_space<vmem>> -> memref<1x128x64xf32, #tpu.memory_space<vmem>>
      %dma_start3A_240 = tpu.memref_squeeze %dma_start3A_239 : memref<1x128x64xf32, #tpu.memory_space<vmem>> -> memref<128x64xf32, #tpu.memory_space<vmem>>
      %dma_start3A_241 = arith.constant 0 : i32
      %dma_start3A_242 = tpu.memref_slice %arg5[%add3A_234, %dma_start3A_241] : memref<200x128xi32, #tpu.memory_space<vmem>> -> memref<1x128xi32, #tpu.memory_space<vmem>>
      %dma_start3A_243 = tpu.memref_squeeze %dma_start3A_242 : memref<1x128xi32, #tpu.memory_space<vmem>> -> memref<128xi32, #tpu.memory_space<vmem>>
      %dma_start3A_244 = arith.constant 0 : i32
      %dma_start3A_245 = arith.constant 0 : i32
      %dma_start3A_246 = tpu.memref_slice %arg2[%dma_start3A_244, %dma_start3A_245] : memref<102400x64xf32, #tpu.memory_space<hbm>> -> memref<102400x64xf32, #tpu.memory_space<hbm>>
      %dma_start3A_247 = tpu.memref_slice %arg7[%dma_start3A_236] : memref<2x!tpu.dma_semaphore, #tpu.memory_space<semaphore_mem>> -> memref<1x!tpu.dma_semaphore, #tpu.memory_space<semaphore_mem>>
      %dma_start3A_248 = tpu.memref_squeeze %dma_start3A_247 : memref<1x!tpu.dma_semaphore, #tpu.memory_space<semaphore_mem>> -> memref<!tpu.dma_semaphore, #tpu.memory_space<semaphore_mem>>
      tpu.enqueue_indirect_dma source(%dma_start3A_246 : memref<102400x64xf32, #tpu.memory_space<hbm>>) target(%dma_start3A_240 : memref<128x64xf32, #tpu.memory_space<vmem>>) offsets(%dma_start3A_243 : memref<128xi32, #tpu.memory_space<vmem>>) semaphore(%dma_start3A_248 : memref<!tpu.dma_semaphore, #tpu.memory_space<semaphore_mem>>)
      %mul3A_249 = arith.constant 5 : i32
      %mul3A_250 = arith.muli %add3A_176, %mul3A_249 : i32
      %add3A_251 = arith.constant 4 : i32
      %add3A_252 = arith.addi %mul3A_250, %add3A_251 : i32
      %dma_start3A_253 = arith.constant 1 : i32
      %dma_start3A_254 = arith.constant 1 : i32
      %dma_start3A_255 = arith.constant 512 : i32
      %dma_start3A_256 = arith.constant 0 : i32
      %dma_start3A_257 = tpu.memref_slice %arg6[%dma_start3A_253, %dma_start3A_255, %dma_start3A_256] : memref<2x640x64xf32, #tpu.memory_space<vmem>> -> memref<1x128x64xf32, #tpu.memory_space<vmem>>
      %dma_start3A_258 = tpu.memref_squeeze %dma_start3A_257 : memref<1x128x64xf32, #tpu.memory_space<vmem>> -> memref<128x64xf32, #tpu.memory_space<vmem>>
      %dma_start3A_259 = arith.constant 0 : i32
      %dma_start3A_260 = tpu.memref_slice %arg5[%add3A_252, %dma_start3A_259] : memref<200x128xi32, #tpu.memory_space<vmem>> -> memref<1x128xi32, #tpu.memory_space<vmem>>
      %dma_start3A_261 = tpu.memref_squeeze %dma_start3A_260 : memref<1x128xi32, #tpu.memory_space<vmem>> -> memref<128xi32, #tpu.memory_space<vmem>>
      %dma_start3A_262 = arith.constant 0 : i32
      %dma_start3A_263 = arith.constant 0 : i32
      %dma_start3A_264 = tpu.memref_slice %arg2[%dma_start3A_262, %dma_start3A_263] : memref<102400x64xf32, #tpu.memory_space<hbm>> -> memref<102400x64xf32, #tpu.memory_space<hbm>>
      %dma_start3A_265 = tpu.memref_slice %arg7[%dma_start3A_254] : memref<2x!tpu.dma_semaphore, #tpu.memory_space<semaphore_mem>> -> memref<1x!tpu.dma_semaphore, #tpu.memory_space<semaphore_mem>>
      %dma_start3A_266 = tpu.memref_squeeze %dma_start3A_265 : memref<1x!tpu.dma_semaphore, #tpu.memory_space<semaphore_mem>> -> memref<!tpu.dma_semaphore, #tpu.memory_space<semaphore_mem>>
      tpu.enqueue_indirect_dma source(%dma_start3A_264 : memref<102400x64xf32, #tpu.memory_space<hbm>>) target(%dma_start3A_258 : memref<128x64xf32, #tpu.memory_space<vmem>>) offsets(%dma_start3A_261 : memref<128xi32, #tpu.memory_space<vmem>>) semaphore(%dma_start3A_266 : memref<!tpu.dma_semaphore, #tpu.memory_space<semaphore_mem>>)
      %mul3A_267 = arith.constant 640 : i32
      %mul3A_268 = arith.muli %mul3A_85, %mul3A_267 : i32
      %add3A_269 = arith.addi %mul3A_4, %mul3A_268 : i32
      %run_scoped3A = arith.constant 0 : i32
      "tpu.region"() ({
        %run_scoped3A_372 = tpu.sem_alloc : memref<!tpu.dma_semaphore, #tpu.memory_space<semaphore_mem>>
        %dma_start3A_373 = arith.constant 0 : i32
        %dma_start3A_374 = arith.constant 0 : i32
        %dma_start3A_375 = tpu.memref_slice %arg6[%run_scoped3A, %dma_start3A_373, %dma_start3A_374] : memref<2x640x64xf32, #tpu.memory_space<vmem>> -> memref<1x640x64xf32, #tpu.memory_space<vmem>>
        %dma_start3A_376 = tpu.memref_squeeze %dma_start3A_375 : memref<1x640x64xf32, #tpu.memory_space<vmem>> -> memref<640x64xf32, #tpu.memory_space<vmem>>
        %dma_start3A_377 = arith.constant 0 : i32
        %dma_start3A_378 = tpu.memref_slice %arg4[%add3A_269, %dma_start3A_377] : memref<819200x64xf32, #tpu.memory_space<hbm>> -> memref<640x64xf32, #tpu.memory_space<hbm>>
        %dma_start3A_379 = arith.constant 0 : i32
        %dma_start3A_380 = tpu.memref_slice %arg4[%add3A_269, %dma_start3A_379] : memref<819200x64xf32, #tpu.memory_space<hbm>> -> memref<640x64xf32, #tpu.memory_space<hbm>>
        %dma_start3A_381 = arith.constant 0 : i32
        %dma_start3A_382 = arith.constant 0 : i32
        %dma_start3A_383 = tpu.memref_slice %arg6[%run_scoped3A, %dma_start3A_381, %dma_start3A_382] : memref<2x640x64xf32, #tpu.memory_space<vmem>> -> memref<1x640x64xf32, #tpu.memory_space<vmem>>
        %dma_start3A_384 = tpu.memref_squeeze %dma_start3A_383 : memref<1x640x64xf32, #tpu.memory_space<vmem>> -> memref<640x64xf32, #tpu.memory_space<vmem>>
        tpu.enqueue_dma source(%dma_start3A_384 : memref<640x64xf32, #tpu.memory_space<vmem>>) target(%dma_start3A_380 : memref<640x64xf32, #tpu.memory_space<hbm>>) target_semaphore(%run_scoped3A_372 : memref<!tpu.dma_semaphore, #tpu.memory_space<semaphore_mem>>)
        %dma_wait3A_385 = arith.constant 0 : i32
        %dma_wait3A_386 = arith.constant 0 : i32
        %dma_wait3A_387 = tpu.memref_slice %arg6[%run_scoped3A, %dma_wait3A_385, %dma_wait3A_386] : memref<2x640x64xf32, #tpu.memory_space<vmem>> -> memref<1x640x64xf32, #tpu.memory_space<vmem>>
        %dma_wait3A_388 = tpu.memref_squeeze %dma_wait3A_387 : memref<1x640x64xf32, #tpu.memory_space<vmem>> -> memref<640x64xf32, #tpu.memory_space<vmem>>
        %dma_wait3A_389 = arith.constant 0 : i32
        %dma_wait3A_390 = tpu.memref_slice %arg4[%add3A_269, %dma_wait3A_389] : memref<819200x64xf32, #tpu.memory_space<hbm>> -> memref<640x64xf32, #tpu.memory_space<hbm>>
        %dma_wait3A_391 = arith.constant 0 : i32
        %dma_wait3A_392 = tpu.memref_slice %arg4[%add3A_269, %dma_wait3A_391] : memref<819200x64xf32, #tpu.memory_space<hbm>> -> memref<640x64xf32, #tpu.memory_space<hbm>>
        %dma_wait3A_393 = arith.constant 0 : i32
        %dma_wait3A_394 = arith.constant 0 : i32
        %dma_wait3A_395 = tpu.memref_slice %arg6[%run_scoped3A, %dma_wait3A_393, %dma_wait3A_394] : memref<2x640x64xf32, #tpu.memory_space<vmem>> -> memref<1x640x64xf32, #tpu.memory_space<vmem>>
        %dma_wait3A_396 = tpu.memref_squeeze %dma_wait3A_395 : memref<1x640x64xf32, #tpu.memory_space<vmem>> -> memref<640x64xf32, #tpu.memory_space<vmem>>
        tpu.wait_dma2 semaphore(%run_scoped3A_372 : memref<!tpu.dma_semaphore, #tpu.memory_space<semaphore_mem>>) src(%dma_wait3A_396 : memref<640x64xf32, #tpu.memory_space<vmem>>) dst(%dma_wait3A_392 : memref<640x64xf32, #tpu.memory_space<hbm>>)
        tpu.yield
      }) : () -> ()
      %add3A_270 = arith.constant 1 : i32
      %add3A_271 = arith.addi %mul3A_85, %add3A_270 : i32
      %mul3A_272 = arith.constant 5 : i32
      %mul3A_273 = arith.muli %add3A_271, %mul3A_272 : i32
      %add3A_274 = arith.constant 0 : i32
      %add3A_275 = arith.addi %mul3A_273, %add3A_274 : i32
      %dma_wait3A_276 = arith.constant 1 : i32
      %dma_wait3A_277 = arith.constant 1 : i32
      %dma_wait3A_278 = arith.constant 0 : i32
      %dma_wait3A_279 = arith.constant 0 : i32
      %dma_wait3A_280 = tpu.memref_slice %arg6[%dma_wait3A_276, %dma_wait3A_278, %dma_wait3A_279] : memref<2x640x64xf32, #tpu.memory_space<vmem>> -> memref<1x128x64xf32, #tpu.memory_space<vmem>>
      %dma_wait3A_281 = tpu.memref_squeeze %dma_wait3A_280 : memref<1x128x64xf32, #tpu.memory_space<vmem>> -> memref<128x64xf32, #tpu.memory_space<vmem>>
      %dma_wait3A_282 = arith.constant 0 : i32
      %dma_wait3A_283 = tpu.memref_slice %arg5[%add3A_275, %dma_wait3A_282] : memref<200x128xi32, #tpu.memory_space<vmem>> -> memref<1x128xi32, #tpu.memory_space<vmem>>
      %dma_wait3A_284 = tpu.memref_squeeze %dma_wait3A_283 : memref<1x128xi32, #tpu.memory_space<vmem>> -> memref<128xi32, #tpu.memory_space<vmem>>
      %dma_wait3A_285 = arith.constant 0 : i32
      %dma_wait3A_286 = arith.constant 0 : i32
      %dma_wait3A_287 = tpu.memref_slice %arg2[%dma_wait3A_285, %dma_wait3A_286] : memref<102400x64xf32, #tpu.memory_space<hbm>> -> memref<102400x64xf32, #tpu.memory_space<hbm>>
      %dma_wait3A_288 = tpu.memref_slice %arg7[%dma_wait3A_277] : memref<2x!tpu.dma_semaphore, #tpu.memory_space<semaphore_mem>> -> memref<1x!tpu.dma_semaphore, #tpu.memory_space<semaphore_mem>>
      %dma_wait3A_289 = tpu.memref_squeeze %dma_wait3A_288 : memref<1x!tpu.dma_semaphore, #tpu.memory_space<semaphore_mem>> -> memref<!tpu.dma_semaphore, #tpu.memory_space<semaphore_mem>>
      tpu.wait_indirect_dma semaphore(%dma_wait3A_289 : memref<!tpu.dma_semaphore, #tpu.memory_space<semaphore_mem>>) src(%dma_wait3A_287 : memref<102400x64xf32, #tpu.memory_space<hbm>>) dst(%dma_wait3A_281 : memref<128x64xf32, #tpu.memory_space<vmem>>)
      %mul3A_290 = arith.constant 5 : i32
      %mul3A_291 = arith.muli %add3A_271, %mul3A_290 : i32
      %add3A_292 = arith.constant 1 : i32
      %add3A_293 = arith.addi %mul3A_291, %add3A_292 : i32
      %dma_wait3A_294 = arith.constant 1 : i32
      %dma_wait3A_295 = arith.constant 1 : i32
      %dma_wait3A_296 = arith.constant 128 : i32
      %dma_wait3A_297 = arith.constant 0 : i32
      %dma_wait3A_298 = tpu.memref_slice %arg6[%dma_wait3A_294, %dma_wait3A_296, %dma_wait3A_297] : memref<2x640x64xf32, #tpu.memory_space<vmem>> -> memref<1x128x64xf32, #tpu.memory_space<vmem>>
      %dma_wait3A_299 = tpu.memref_squeeze %dma_wait3A_298 : memref<1x128x64xf32, #tpu.memory_space<vmem>> -> memref<128x64xf32, #tpu.memory_space<vmem>>
      %dma_wait3A_300 = arith.constant 0 : i32
      %dma_wait3A_301 = tpu.memref_slice %arg5[%add3A_293, %dma_wait3A_300] : memref<200x128xi32, #tpu.memory_space<vmem>> -> memref<1x128xi32, #tpu.memory_space<vmem>>
      %dma_wait3A_302 = tpu.memref_squeeze %dma_wait3A_301 : memref<1x128xi32, #tpu.memory_space<vmem>> -> memref<128xi32, #tpu.memory_space<vmem>>
      %dma_wait3A_303 = arith.constant 0 : i32
      %dma_wait3A_304 = arith.constant 0 : i32
      %dma_wait3A_305 = tpu.memref_slice %arg2[%dma_wait3A_303, %dma_wait3A_304] : memref<102400x64xf32, #tpu.memory_space<hbm>> -> memref<102400x64xf32, #tpu.memory_space<hbm>>
      %dma_wait3A_306 = tpu.memref_slice %arg7[%dma_wait3A_295] : memref<2x!tpu.dma_semaphore, #tpu.memory_space<semaphore_mem>> -> memref<1x!tpu.dma_semaphore, #tpu.memory_space<semaphore_mem>>
      %dma_wait3A_307 = tpu.memref_squeeze %dma_wait3A_306 : memref<1x!tpu.dma_semaphore, #tpu.memory_space<semaphore_mem>> -> memref<!tpu.dma_semaphore, #tpu.memory_space<semaphore_mem>>
      tpu.wait_indirect_dma semaphore(%dma_wait3A_307 : memref<!tpu.dma_semaphore, #tpu.memory_space<semaphore_mem>>) src(%dma_wait3A_305 : memref<102400x64xf32, #tpu.memory_space<hbm>>) dst(%dma_wait3A_299 : memref<128x64xf32, #tpu.memory_space<vmem>>)
      %mul3A_308 = arith.constant 5 : i32
      %mul3A_309 = arith.muli %add3A_271, %mul3A_308 : i32
      %add3A_310 = arith.constant 2 : i32
      %add3A_311 = arith.addi %mul3A_309, %add3A_310 : i32
      %dma_wait3A_312 = arith.constant 1 : i32
      %dma_wait3A_313 = arith.constant 1 : i32
      %dma_wait3A_314 = arith.constant 256 : i32
      %dma_wait3A_315 = arith.constant 0 : i32
      %dma_wait3A_316 = tpu.memref_slice %arg6[%dma_wait3A_312, %dma_wait3A_314, %dma_wait3A_315] : memref<2x640x64xf32, #tpu.memory_space<vmem>> -> memref<1x128x64xf32, #tpu.memory_space<vmem>>
      %dma_wait3A_317 = tpu.memref_squeeze %dma_wait3A_316 : memref<1x128x64xf32, #tpu.memory_space<vmem>> -> memref<128x64xf32, #tpu.memory_space<vmem>>
      %dma_wait3A_318 = arith.constant 0 : i32
      %dma_wait3A_319 = tpu.memref_slice %arg5[%add3A_311, %dma_wait3A_318] : memref<200x128xi32, #tpu.memory_space<vmem>> -> memref<1x128xi32, #tpu.memory_space<vmem>>
      %dma_wait3A_320 = tpu.memref_squeeze %dma_wait3A_319 : memref<1x128xi32, #tpu.memory_space<vmem>> -> memref<128xi32, #tpu.memory_space<vmem>>
      %dma_wait3A_321 = arith.constant 0 : i32
      %dma_wait3A_322 = arith.constant 0 : i32
      %dma_wait3A_323 = tpu.memref_slice %arg2[%dma_wait3A_321, %dma_wait3A_322] : memref<102400x64xf32, #tpu.memory_space<hbm>> -> memref<102400x64xf32, #tpu.memory_space<hbm>>
      %dma_wait3A_324 = tpu.memref_slice %arg7[%dma_wait3A_313] : memref<2x!tpu.dma_semaphore, #tpu.memory_space<semaphore_mem>> -> memref<1x!tpu.dma_semaphore, #tpu.memory_space<semaphore_mem>>
      %dma_wait3A_325 = tpu.memref_squeeze %dma_wait3A_324 : memref<1x!tpu.dma_semaphore, #tpu.memory_space<semaphore_mem>> -> memref<!tpu.dma_semaphore, #tpu.memory_space<semaphore_mem>>
      tpu.wait_indirect_dma semaphore(%dma_wait3A_325 : memref<!tpu.dma_semaphore, #tpu.memory_space<semaphore_mem>>) src(%dma_wait3A_323 : memref<102400x64xf32, #tpu.memory_space<hbm>>) dst(%dma_wait3A_317 : memref<128x64xf32, #tpu.memory_space<vmem>>)
      %mul3A_326 = arith.constant 5 : i32
      %mul3A_327 = arith.muli %add3A_271, %mul3A_326 : i32
      %add3A_328 = arith.constant 3 : i32
      %add3A_329 = arith.addi %mul3A_327, %add3A_328 : i32
      %dma_wait3A_330 = arith.constant 1 : i32
      %dma_wait3A_331 = arith.constant 1 : i32
      %dma_wait3A_332 = arith.constant 384 : i32
      %dma_wait3A_333 = arith.constant 0 : i32
      %dma_wait3A_334 = tpu.memref_slice %arg6[%dma_wait3A_330, %dma_wait3A_332, %dma_wait3A_333] : memref<2x640x64xf32, #tpu.memory_space<vmem>> -> memref<1x128x64xf32, #tpu.memory_space<vmem>>
      %dma_wait3A_335 = tpu.memref_squeeze %dma_wait3A_334 : memref<1x128x64xf32, #tpu.memory_space<vmem>> -> memref<128x64xf32, #tpu.memory_space<vmem>>
      %dma_wait3A_336 = arith.constant 0 : i32
      %dma_wait3A_337 = tpu.memref_slice %arg5[%add3A_329, %dma_wait3A_336] : memref<200x128xi32, #tpu.memory_space<vmem>> -> memref<1x128xi32, #tpu.memory_space<vmem>>
      %dma_wait3A_338 = tpu.memref_squeeze %dma_wait3A_337 : memref<1x128xi32, #tpu.memory_space<vmem>> -> memref<128xi32, #tpu.memory_space<vmem>>
      %dma_wait3A_339 = arith.constant 0 : i32
      %dma_wait3A_340 = arith.constant 0 : i32
      %dma_wait3A_341 = tpu.memref_slice %arg2[%dma_wait3A_339, %dma_wait3A_340] : memref<102400x64xf32, #tpu.memory_space<hbm>> -> memref<102400x64xf32, #tpu.memory_space<hbm>>
      %dma_wait3A_342 = tpu.memref_slice %arg7[%dma_wait3A_331] : memref<2x!tpu.dma_semaphore, #tpu.memory_space<semaphore_mem>> -> memref<1x!tpu.dma_semaphore, #tpu.memory_space<semaphore_mem>>
      %dma_wait3A_343 = tpu.memref_squeeze %dma_wait3A_342 : memref<1x!tpu.dma_semaphore, #tpu.memory_space<semaphore_mem>> -> memref<!tpu.dma_semaphore, #tpu.memory_space<semaphore_mem>>
      tpu.wait_indirect_dma semaphore(%dma_wait3A_343 : memref<!tpu.dma_semaphore, #tpu.memory_space<semaphore_mem>>) src(%dma_wait3A_341 : memref<102400x64xf32, #tpu.memory_space<hbm>>) dst(%dma_wait3A_335 : memref<128x64xf32, #tpu.memory_space<vmem>>)
      %mul3A_344 = arith.constant 5 : i32
      %mul3A_345 = arith.muli %add3A_271, %mul3A_344 : i32
      %add3A_346 = arith.constant 4 : i32
      %add3A_347 = arith.addi %mul3A_345, %add3A_346 : i32
      %dma_wait3A_348 = arith.constant 1 : i32
      %dma_wait3A_349 = arith.constant 1 : i32
      %dma_wait3A_350 = arith.constant 512 : i32
      %dma_wait3A_351 = arith.constant 0 : i32
      %dma_wait3A_352 = tpu.memref_slice %arg6[%dma_wait3A_348, %dma_wait3A_350, %dma_wait3A_351] : memref<2x640x64xf32, #tpu.memory_space<vmem>> -> memref<1x128x64xf32, #tpu.memory_space<vmem>>
      %dma_wait3A_353 = tpu.memref_squeeze %dma_wait3A_352 : memref<1x128x64xf32, #tpu.memory_space<vmem>> -> memref<128x64xf32, #tpu.memory_space<vmem>>
      %dma_wait3A_354 = arith.constant 0 : i32
      %dma_wait3A_355 = tpu.memref_slice %arg5[%add3A_347, %dma_wait3A_354] : memref<200x128xi32, #tpu.memory_space<vmem>> -> memref<1x128xi32, #tpu.memory_space<vmem>>
      %dma_wait3A_356 = tpu.memref_squeeze %dma_wait3A_355 : memref<1x128xi32, #tpu.memory_space<vmem>> -> memref<128xi32, #tpu.memory_space<vmem>>
      %dma_wait3A_357 = arith.constant 0 : i32
      %dma_wait3A_358 = arith.constant 0 : i32
      %dma_wait3A_359 = tpu.memref_slice %arg2[%dma_wait3A_357, %dma_wait3A_358] : memref<102400x64xf32, #tpu.memory_space<hbm>> -> memref<102400x64xf32, #tpu.memory_space<hbm>>
      %dma_wait3A_360 = tpu.memref_slice %arg7[%dma_wait3A_349] : memref<2x!tpu.dma_semaphore, #tpu.memory_space<semaphore_mem>> -> memref<1x!tpu.dma_semaphore, #tpu.memory_space<semaphore_mem>>
      %dma_wait3A_361 = tpu.memref_squeeze %dma_wait3A_360 : memref<1x!tpu.dma_semaphore, #tpu.memory_space<semaphore_mem>> -> memref<!tpu.dma_semaphore, #tpu.memory_space<semaphore_mem>>
      tpu.wait_indirect_dma semaphore(%dma_wait3A_361 : memref<!tpu.dma_semaphore, #tpu.memory_space<semaphore_mem>>) src(%dma_wait3A_359 : memref<102400x64xf32, #tpu.memory_space<hbm>>) dst(%dma_wait3A_353 : memref<128x64xf32, #tpu.memory_space<vmem>>)
      %add3A_362 = arith.constant 1 : i32
      %add3A_363 = arith.addi %scan3A_83, %add3A_362 : i32
      %lt3A = arith.constant 20 : i32
      %lt3A_364 = arith.cmpi slt, %add3A_363, %lt3A : i32
      %convert_element_type3A = arith.extui %lt3A_364 : i1 to i32
      %cond3A = arith.constant 0 : i32
      %cond3A_365 = arith.cmpi ne, %convert_element_type3A, %cond3A : i32
      scf.if %cond3A_365 {
        %add3A_372 = arith.constant 2 : i32
        %add3A_373 = arith.addi %mul3A_85, %add3A_372 : i32
        %mul3A_374 = arith.constant 5 : i32
        %mul3A_375 = arith.muli %add3A_373, %mul3A_374 : i32
        %add3A_376 = arith.constant 0 : i32
        %add3A_377 = arith.addi %mul3A_375, %add3A_376 : i32
        %dma_start3A_378 = arith.constant 0 : i32
        %dma_start3A_379 = arith.constant 0 : i32
        %dma_start3A_380 = arith.constant 0 : i32
        %dma_start3A_381 = arith.constant 0 : i32
        %dma_start3A_382 = tpu.memref_slice %arg6[%dma_start3A_378, %dma_start3A_380, %dma_start3A_381] : memref<2x640x64xf32, #tpu.memory_space<vmem>> -> memref<1x128x64xf32, #tpu.memory_space<vmem>>
        %dma_start3A_383 = tpu.memref_squeeze %dma_start3A_382 : memref<1x128x64xf32, #tpu.memory_space<vmem>> -> memref<128x64xf32, #tpu.memory_space<vmem>>
        %dma_start3A_384 = arith.constant 0 : i32
        %dma_start3A_385 = tpu.memref_slice %arg5[%add3A_377, %dma_start3A_384] : memref<200x128xi32, #tpu.memory_space<vmem>> -> memref<1x128xi32, #tpu.memory_space<vmem>>
        %dma_start3A_386 = tpu.memref_squeeze %dma_start3A_385 : memref<1x128xi32, #tpu.memory_space<vmem>> -> memref<128xi32, #tpu.memory_space<vmem>>
        %dma_start3A_387 = arith.constant 0 : i32
        %dma_start3A_388 = arith.constant 0 : i32
        %dma_start3A_389 = tpu.memref_slice %arg2[%dma_start3A_387, %dma_start3A_388] : memref<102400x64xf32, #tpu.memory_space<hbm>> -> memref<102400x64xf32, #tpu.memory_space<hbm>>
        %dma_start3A_390 = tpu.memref_slice %arg7[%dma_start3A_379] : memref<2x!tpu.dma_semaphore, #tpu.memory_space<semaphore_mem>> -> memref<1x!tpu.dma_semaphore, #tpu.memory_space<semaphore_mem>>
        %dma_start3A_391 = tpu.memref_squeeze %dma_start3A_390 : memref<1x!tpu.dma_semaphore, #tpu.memory_space<semaphore_mem>> -> memref<!tpu.dma_semaphore, #tpu.memory_space<semaphore_mem>>
        tpu.enqueue_indirect_dma source(%dma_start3A_389 : memref<102400x64xf32, #tpu.memory_space<hbm>>) target(%dma_start3A_383 : memref<128x64xf32, #tpu.memory_space<vmem>>) offsets(%dma_start3A_386 : memref<128xi32, #tpu.memory_space<vmem>>) semaphore(%dma_start3A_391 : memref<!tpu.dma_semaphore, #tpu.memory_space<semaphore_mem>>)
        %mul3A_392 = arith.constant 5 : i32
        %mul3A_393 = arith.muli %add3A_373, %mul3A_392 : i32
        %add3A_394 = arith.constant 1 : i32
        %add3A_395 = arith.addi %mul3A_393, %add3A_394 : i32
        %dma_start3A_396 = arith.constant 0 : i32
        %dma_start3A_397 = arith.constant 0 : i32
        %dma_start3A_398 = arith.constant 128 : i32
        %dma_start3A_399 = arith.constant 0 : i32
        %dma_start3A_400 = tpu.memref_slice %arg6[%dma_start3A_396, %dma_start3A_398, %dma_start3A_399] : memref<2x640x64xf32, #tpu.memory_space<vmem>> -> memref<1x128x64xf32, #tpu.memory_space<vmem>>
        %dma_start3A_401 = tpu.memref_squeeze %dma_start3A_400 : memref<1x128x64xf32, #tpu.memory_space<vmem>> -> memref<128x64xf32, #tpu.memory_space<vmem>>
        %dma_start3A_402 = arith.constant 0 : i32
        %dma_start3A_403 = tpu.memref_slice %arg5[%add3A_395, %dma_start3A_402] : memref<200x128xi32, #tpu.memory_space<vmem>> -> memref<1x128xi32, #tpu.memory_space<vmem>>
        %dma_start3A_404 = tpu.memref_squeeze %dma_start3A_403 : memref<1x128xi32, #tpu.memory_space<vmem>> -> memref<128xi32, #tpu.memory_space<vmem>>
        %dma_start3A_405 = arith.constant 0 : i32
        %dma_start3A_406 = arith.constant 0 : i32
        %dma_start3A_407 = tpu.memref_slice %arg2[%dma_start3A_405, %dma_start3A_406] : memref<102400x64xf32, #tpu.memory_space<hbm>> -> memref<102400x64xf32, #tpu.memory_space<hbm>>
        %dma_start3A_408 = tpu.memref_slice %arg7[%dma_start3A_397] : memref<2x!tpu.dma_semaphore, #tpu.memory_space<semaphore_mem>> -> memref<1x!tpu.dma_semaphore, #tpu.memory_space<semaphore_mem>>
        %dma_start3A_409 = tpu.memref_squeeze %dma_start3A_408 : memref<1x!tpu.dma_semaphore, #tpu.memory_space<semaphore_mem>> -> memref<!tpu.dma_semaphore, #tpu.memory_space<semaphore_mem>>
        tpu.enqueue_indirect_dma source(%dma_start3A_407 : memref<102400x64xf32, #tpu.memory_space<hbm>>) target(%dma_start3A_401 : memref<128x64xf32, #tpu.memory_space<vmem>>) offsets(%dma_start3A_404 : memref<128xi32, #tpu.memory_space<vmem>>) semaphore(%dma_start3A_409 : memref<!tpu.dma_semaphore, #tpu.memory_space<semaphore_mem>>)
        %mul3A_410 = arith.constant 5 : i32
        %mul3A_411 = arith.muli %add3A_373, %mul3A_410 : i32
        %add3A_412 = arith.constant 2 : i32
        %add3A_413 = arith.addi %mul3A_411, %add3A_412 : i32
        %dma_start3A_414 = arith.constant 0 : i32
        %dma_start3A_415 = arith.constant 0 : i32
        %dma_start3A_416 = arith.constant 256 : i32
        %dma_start3A_417 = arith.constant 0 : i32
        %dma_start3A_418 = tpu.memref_slice %arg6[%dma_start3A_414, %dma_start3A_416, %dma_start3A_417] : memref<2x640x64xf32, #tpu.memory_space<vmem>> -> memref<1x128x64xf32, #tpu.memory_space<vmem>>
        %dma_start3A_419 = tpu.memref_squeeze %dma_start3A_418 : memref<1x128x64xf32, #tpu.memory_space<vmem>> -> memref<128x64xf32, #tpu.memory_space<vmem>>
        %dma_start3A_420 = arith.constant 0 : i32
        %dma_start3A_421 = tpu.memref_slice %arg5[%add3A_413, %dma_start3A_420] : memref<200x128xi32, #tpu.memory_space<vmem>> -> memref<1x128xi32, #tpu.memory_space<vmem>>
        %dma_start3A_422 = tpu.memref_squeeze %dma_start3A_421 : memref<1x128xi32, #tpu.memory_space<vmem>> -> memref<128xi32, #tpu.memory_space<vmem>>
        %dma_start3A_423 = arith.constant 0 : i32
        %dma_start3A_424 = arith.constant 0 : i32
        %dma_start3A_425 = tpu.memref_slice %arg2[%dma_start3A_423, %dma_start3A_424] : memref<102400x64xf32, #tpu.memory_space<hbm>> -> memref<102400x64xf32, #tpu.memory_space<hbm>>
        %dma_start3A_426 = tpu.memref_slice %arg7[%dma_start3A_415] : memref<2x!tpu.dma_semaphore, #tpu.memory_space<semaphore_mem>> -> memref<1x!tpu.dma_semaphore, #tpu.memory_space<semaphore_mem>>
        %dma_start3A_427 = tpu.memref_squeeze %dma_start3A_426 : memref<1x!tpu.dma_semaphore, #tpu.memory_space<semaphore_mem>> -> memref<!tpu.dma_semaphore, #tpu.memory_space<semaphore_mem>>
        tpu.enqueue_indirect_dma source(%dma_start3A_425 : memref<102400x64xf32, #tpu.memory_space<hbm>>) target(%dma_start3A_419 : memref<128x64xf32, #tpu.memory_space<vmem>>) offsets(%dma_start3A_422 : memref<128xi32, #tpu.memory_space<vmem>>) semaphore(%dma_start3A_427 : memref<!tpu.dma_semaphore, #tpu.memory_space<semaphore_mem>>)
        %mul3A_428 = arith.constant 5 : i32
        %mul3A_429 = arith.muli %add3A_373, %mul3A_428 : i32
        %add3A_430 = arith.constant 3 : i32
        %add3A_431 = arith.addi %mul3A_429, %add3A_430 : i32
        %dma_start3A_432 = arith.constant 0 : i32
        %dma_start3A_433 = arith.constant 0 : i32
        %dma_start3A_434 = arith.constant 384 : i32
        %dma_start3A_435 = arith.constant 0 : i32
        %dma_start3A_436 = tpu.memref_slice %arg6[%dma_start3A_432, %dma_start3A_434, %dma_start3A_435] : memref<2x640x64xf32, #tpu.memory_space<vmem>> -> memref<1x128x64xf32, #tpu.memory_space<vmem>>
        %dma_start3A_437 = tpu.memref_squeeze %dma_start3A_436 : memref<1x128x64xf32, #tpu.memory_space<vmem>> -> memref<128x64xf32, #tpu.memory_space<vmem>>
        %dma_start3A_438 = arith.constant 0 : i32
        %dma_start3A_439 = tpu.memref_slice %arg5[%add3A_431, %dma_start3A_438] : memref<200x128xi32, #tpu.memory_space<vmem>> -> memref<1x128xi32, #tpu.memory_space<vmem>>
        %dma_start3A_440 = tpu.memref_squeeze %dma_start3A_439 : memref<1x128xi32, #tpu.memory_space<vmem>> -> memref<128xi32, #tpu.memory_space<vmem>>
        %dma_start3A_441 = arith.constant 0 : i32
        %dma_start3A_442 = arith.constant 0 : i32
        %dma_start3A_443 = tpu.memref_slice %arg2[%dma_start3A_441, %dma_start3A_442] : memref<102400x64xf32, #tpu.memory_space<hbm>> -> memref<102400x64xf32, #tpu.memory_space<hbm>>
        %dma_start3A_444 = tpu.memref_slice %arg7[%dma_start3A_433] : memref<2x!tpu.dma_semaphore, #tpu.memory_space<semaphore_mem>> -> memref<1x!tpu.dma_semaphore, #tpu.memory_space<semaphore_mem>>
        %dma_start3A_445 = tpu.memref_squeeze %dma_start3A_444 : memref<1x!tpu.dma_semaphore, #tpu.memory_space<semaphore_mem>> -> memref<!tpu.dma_semaphore, #tpu.memory_space<semaphore_mem>>
        tpu.enqueue_indirect_dma source(%dma_start3A_443 : memref<102400x64xf32, #tpu.memory_space<hbm>>) target(%dma_start3A_437 : memref<128x64xf32, #tpu.memory_space<vmem>>) offsets(%dma_start3A_440 : memref<128xi32, #tpu.memory_space<vmem>>) semaphore(%dma_start3A_445 : memref<!tpu.dma_semaphore, #tpu.memory_space<semaphore_mem>>)
        %mul3A_446 = arith.constant 5 : i32
        %mul3A_447 = arith.muli %add3A_373, %mul3A_446 : i32
        %add3A_448 = arith.constant 4 : i32
        %add3A_449 = arith.addi %mul3A_447, %add3A_448 : i32
        %dma_start3A_450 = arith.constant 0 : i32
        %dma_start3A_451 = arith.constant 0 : i32
        %dma_start3A_452 = arith.constant 512 : i32
        %dma_start3A_453 = arith.constant 0 : i32
        %dma_start3A_454 = tpu.memref_slice %arg6[%dma_start3A_450, %dma_start3A_452, %dma_start3A_453] : memref<2x640x64xf32, #tpu.memory_space<vmem>> -> memref<1x128x64xf32, #tpu.memory_space<vmem>>
        %dma_start3A_455 = tpu.memref_squeeze %dma_start3A_454 : memref<1x128x64xf32, #tpu.memory_space<vmem>> -> memref<128x64xf32, #tpu.memory_space<vmem>>
        %dma_start3A_456 = arith.constant 0 : i32
        %dma_start3A_457 = tpu.memref_slice %arg5[%add3A_449, %dma_start3A_456] : memref<200x128xi32, #tpu.memory_space<vmem>> -> memref<1x128xi32, #tpu.memory_space<vmem>>
        %dma_start3A_458 = tpu.memref_squeeze %dma_start3A_457 : memref<1x128xi32, #tpu.memory_space<vmem>> -> memref<128xi32, #tpu.memory_space<vmem>>
        %dma_start3A_459 = arith.constant 0 : i32
        %dma_start3A_460 = arith.constant 0 : i32
        %dma_start3A_461 = tpu.memref_slice %arg2[%dma_start3A_459, %dma_start3A_460] : memref<102400x64xf32, #tpu.memory_space<hbm>> -> memref<102400x64xf32, #tpu.memory_space<hbm>>
        %dma_start3A_462 = tpu.memref_slice %arg7[%dma_start3A_451] : memref<2x!tpu.dma_semaphore, #tpu.memory_space<semaphore_mem>> -> memref<1x!tpu.dma_semaphore, #tpu.memory_space<semaphore_mem>>
        %dma_start3A_463 = tpu.memref_squeeze %dma_start3A_462 : memref<1x!tpu.dma_semaphore, #tpu.memory_space<semaphore_mem>> -> memref<!tpu.dma_semaphore, #tpu.memory_space<semaphore_mem>>
        tpu.enqueue_indirect_dma source(%dma_start3A_461 : memref<102400x64xf32, #tpu.memory_space<hbm>>) target(%dma_start3A_455 : memref<128x64xf32, #tpu.memory_space<vmem>>) offsets(%dma_start3A_458 : memref<128xi32, #tpu.memory_space<vmem>>) semaphore(%dma_start3A_463 : memref<!tpu.dma_semaphore, #tpu.memory_space<semaphore_mem>>)
      } else {
      }
      %add3A_366 = arith.constant 1 : i32
      %add3A_367 = arith.addi %mul3A_85, %add3A_366 : i32
      %mul3A_368 = arith.constant 640 : i32
      %mul3A_369 = arith.muli %add3A_367, %mul3A_368 : i32
      %add3A_370 = arith.addi %mul3A_4, %mul3A_369 : i32
      %run_scoped3A_371 = arith.constant 1 : i32
      "tpu.region"() ({
        %run_scoped3A_372 = tpu.sem_alloc : memref<!tpu.dma_semaphore, #tpu.memory_space<semaphore_mem>>
        %dma_start3A_373 = arith.constant 0 : i32
        %dma_start3A_374 = arith.constant 0 : i32
        %dma_start3A_375 = tpu.memref_slice %arg6[%run_scoped3A_371, %dma_start3A_373, %dma_start3A_374] : memref<2x640x64xf32, #tpu.memory_space<vmem>> -> memref<1x640x64xf32, #tpu.memory_space<vmem>>
        %dma_start3A_376 = tpu.memref_squeeze %dma_start3A_375 : memref<1x640x64xf32, #tpu.memory_space<vmem>> -> memref<640x64xf32, #tpu.memory_space<vmem>>
        %dma_start3A_377 = arith.constant 0 : i32
        %dma_start3A_378 = tpu.memref_slice %arg4[%add3A_370, %dma_start3A_377] : memref<819200x64xf32, #tpu.memory_space<hbm>> -> memref<640x64xf32, #tpu.memory_space<hbm>>
        %dma_start3A_379 = arith.constant 0 : i32
        %dma_start3A_380 = tpu.memref_slice %arg4[%add3A_370, %dma_start3A_379] : memref<819200x64xf32, #tpu.memory_space<hbm>> -> memref<640x64xf32, #tpu.memory_space<hbm>>
        %dma_start3A_381 = arith.constant 0 : i32
        %dma_start3A_382 = arith.constant 0 : i32
        %dma_start3A_383 = tpu.memref_slice %arg6[%run_scoped3A_371, %dma_start3A_381, %dma_start3A_382] : memref<2x640x64xf32, #tpu.memory_space<vmem>> -> memref<1x640x64xf32, #tpu.memory_space<vmem>>
        %dma_start3A_384 = tpu.memref_squeeze %dma_start3A_383 : memref<1x640x64xf32, #tpu.memory_space<vmem>> -> memref<640x64xf32, #tpu.memory_space<vmem>>
        tpu.enqueue_dma source(%dma_start3A_384 : memref<640x64xf32, #tpu.memory_space<vmem>>) target(%dma_start3A_380 : memref<640x64xf32, #tpu.memory_space<hbm>>) target_semaphore(%run_scoped3A_372 : memref<!tpu.dma_semaphore, #tpu.memory_space<semaphore_mem>>)
        %dma_wait3A_385 = arith.constant 0 : i32
        %dma_wait3A_386 = arith.constant 0 : i32
        %dma_wait3A_387 = tpu.memref_slice %arg6[%run_scoped3A_371, %dma_wait3A_385, %dma_wait3A_386] : memref<2x640x64xf32, #tpu.memory_space<vmem>> -> memref<1x640x64xf32, #tpu.memory_space<vmem>>
        %dma_wait3A_388 = tpu.memref_squeeze %dma_wait3A_387 : memref<1x640x64xf32, #tpu.memory_space<vmem>> -> memref<640x64xf32, #tpu.memory_space<vmem>>
        %dma_wait3A_389 = arith.constant 0 : i32
        %dma_wait3A_390 = tpu.memref_slice %arg4[%add3A_370, %dma_wait3A_389] : memref<819200x64xf32, #tpu.memory_space<hbm>> -> memref<640x64xf32, #tpu.memory_space<hbm>>
        %dma_wait3A_391 = arith.constant 0 : i32
        %dma_wait3A_392 = tpu.memref_slice %arg4[%add3A_370, %dma_wait3A_391] : memref<819200x64xf32, #tpu.memory_space<hbm>> -> memref<640x64xf32, #tpu.memory_space<hbm>>
        %dma_wait3A_393 = arith.constant 0 : i32
        %dma_wait3A_394 = arith.constant 0 : i32
        %dma_wait3A_395 = tpu.memref_slice %arg6[%run_scoped3A_371, %dma_wait3A_393, %dma_wait3A_394] : memref<2x640x64xf32, #tpu.memory_space<vmem>> -> memref<1x640x64xf32, #tpu.memory_space<vmem>>
        %dma_wait3A_396 = tpu.memref_squeeze %dma_wait3A_395 : memref<1x640x64xf32, #tpu.memory_space<vmem>> -> memref<640x64xf32, #tpu.memory_space<vmem>>
        tpu.wait_dma2 semaphore(%run_scoped3A_372 : memref<!tpu.dma_semaphore, #tpu.memory_space<semaphore_mem>>) src(%dma_wait3A_396 : memref<640x64xf32, #tpu.memory_space<vmem>>) dst(%dma_wait3A_392 : memref<640x64xf32, #tpu.memory_space<hbm>>)
        tpu.yield
      }) : () -> ()
    }
    %scan3A_82 = arith.constant 20 : i32
    return
  }
}

module attributes {stable_mosaic.version = 14 : i64} {
  func.func @body(%arg0: i32, %arg1: memref<64x4096xf32, #tpu.memory_space<vmem>>, %arg2: memref<4096x64xf32, #tpu.memory_space<vmem>>) attributes {dimension_semantics = [#tpu.dimension_semantics<arbitrary>], iteration_bounds = array<i64: 25>, scalar_prefetch = 0 : i64, scratch_operands = 0 : i64, tpu.core_type = #tpu.core_type<tc>, window_params = [{transform_indices = @transform_0, window_bounds = array<i64: 64, 4096>}, {transform_indices = @transform_1, window_bounds = array<i64: 4096, 64>}]} {
    %get3A = arith.constant 0 : index
    %get3A_0 = arith.constant 0 : index
    %get3A_1 = vector.load %arg1[%get3A, %get3A_0] : memref<64x4096xf32, #tpu.memory_space<vmem>>, vector<64x4096xf32>
    %transpose3A = tpu.transpose %get3A_1, [1, 0] : vector<64x4096xf32> -> vector<4096x64xf32>
    %swap3A = arith.constant 0 : index
    %swap3A_2 = arith.constant 0 : index
    %swap3A_3 = vector.load %arg2[%swap3A, %swap3A_2] : memref<4096x64xf32, #tpu.memory_space<vmem>>, vector<4096x64xf32>
    tpu.vector_store %arg2[%swap3A, %swap3A_2], %transpose3A {strides = array<i32>} : memref<4096x64xf32, #tpu.memory_space<vmem>>, vector<4096x64xf32>,
    return
  }
  func.func @transform_0(%arg0: i32) -> (i32, i32) {
    %c0_i32 = arith.constant 0 : i32
    %c0_i32_0 = arith.constant 0 : i32
    return %c0_i32, %arg0 : i32, i32
  }
  func.func @transform_1(%arg0: i32) -> (i32, i32) {
    %c0_i32 = arith.constant 0 : i32
    %c0_i32_0 = arith.constant 0 : i32
    return %arg0, %c0_i32 : i32, i32
  }
}

</mosaic_0001>

<sc_bundles>
// kernel: kernel.5.cloned.1.call-start
scs
__scs_entry_jumppad:
0x0: {  	(pc) =	sbr.rel $0x88, $3  }
0x1: {  	(tag) =	ssettag $0x0;
	lr =	simm.s32 $0x1  }
0x2: {  	[smem:$0x3F9F] =	sst lr;
	_ =	strace $0xD0000000  }
0x3: {  	_ = 	snop  }
0x4: {  	_ = 	snop  }
0x5: {  	_ = 	snop  }
0x6: {  	_ = 	snop  }
0x7: {  	_ = 	snop  }
__scs_overlays_trampoline_lowered:
0x8: {  	[smem:$0x3FAE] =	sst s0  }
0x9: {  	[smem:$0x3FAF] =	sst s1  }
0xa: {  	[smem:$0x3FB0] =	sst s2  }
0xb: {  	[smem:$0x3FB1] =	sst s3  }
0xc: {  	[smem:$0x3FB2] =	sst s4  }
0xd: {  	[smem:$0x3FB3] =	sst s5  }
0xe: {  	[smem:$0x3FB4] =	sst s6  }
0xf: {  	[smem:$0x3FB5] =	sst s7  }
0x10: {  	[smem:$0x3FB6] =	sst s8  }
0x11: {  	[smem:$0x3FB7] =	sst s9;
	s0 =	simm.s32 @!p0 $0x0  }
0x12: {  	s1 =	sld [smem:$0x3F9D];
	s0 =	simm.s32 @p0 $0x1  }
0x13: {  	[smem:$0x3FB8] =	sst s0;
	s0 =	simm.s32 @!p1 $0x0  }
0x14: {  	s2 =	sld [smem:$0x3F9C];
	s0 =	simm.s32 @p1 $0x1  }
0x15: {  	[smem:$0x3FB9] =	sst s0;
	s0 =	simm.s32 @!p2 $0x0  }
0x16: {  	s3 =	sld [smem:$0x3FDB];
	s0 =	simm.s32 @p2 $0x1  }
0x17: {  	s4 =	simm.s32 $0x1BF5;
	[smem:$0x3FBB] =	sst s0  }
0x18: {  	s0 =	sld [smem:$0x3F9E];
	_ =	swait.ge [sflag:s4], $0x0  }
0x19: {  	s7 =	sld [smem:$0x3F9F]  }
0x1a: {  	s8 =	sadd.s32 $0xFFFFE003, lr  }
0x1b: {  	s9 =	sadd.s32 $0xFFFFFEF7, lr;
	s5 =	simm.s32 $0xFFFFFFFF;
	p2 =	slt.u32 s8, $0xFFFFF086  }
0x1c: {  	p1 =	slt.u32 s9, $0xF7A;
	s5 =	simm.s32 @!p2 $0x0  }
0x1d: {  	s5 =	simm.s32 @p1 $0x1;
	p0 =	seq.s32 s7, s2  }
0x1e: {  	s7 =	smul.u32 @!p0 $0xF7A, s2;
	p2 =	seq.s32 @!p0 s5, $0x0  }
0x1f: {  	s9 =	smul.u32 $0xF7A, s1;
	s8 =	simm.s32 @!p0 $0x1BF5;
	p2 =	por !p2, p0  }
0x20: {  	[sflag:s8] =	ssyncset.s32 @!p0 $0xFFFFF086;
	s6 =	sadd.s32 @!p0 s3, s7;
	s7 =	simm.s32 @!p0 $0x108  }
0x21: {  	s3 =	sadd.s32 s3, s9;
	s6 =	sadd.s32 @!p0 $0x88, s6;
	s7 =	simm.s32 @p2 $0x1082  }
0x22: {  	[simem:s7], [sflag:s8] =	dma.local @!p0 [hbm:s6], $0xF7A  }
0x23: {  	s9 =	sor.u32 $0xD0000000, s2;
	s6 =	simm.s32 $0x108;
	_ =	swait.ge @!p0 [sflag:s8], $0x0  }
0x24: {  	s3 =	sadd.s32 $0x88, s3;
	s6 =	simm.s32 @!p1 $0x1082;
	[sflag:s4] =	ssyncset.s32 $0xFFFFF086  }
0x25: {  	[simem:s6], [sflag:s4] =	dma.local [hbm:s3], $0xF7A  }
0x26: {  	[smem:$0x3F9F] =	sst s1;
	(tag) =	ssettag s2;
	_ =	strace s9  }
0x27: {  	s1 =	sld [smem:$0x3FAF]  }
0x28: {  	s2 =	sld [smem:$0x3FB0]  }
0x29: {  	s4 =	sld [smem:$0x3FB2]  }
0x2a: {  	p0 =	seq.s32 s5, $0x0;
	s5 =	sld [smem:$0x3FB3]  }
0x2b: {  	s6 =	sld [smem:$0x3FB4]  }
0x2c: {  	s7 =	sld [smem:$0x3FB5]  }
0x2d: {  	s3 =	simm.s32 $0x108;
	s8 =	sld [smem:$0x3FB6]  }
0x2e: {  	s3 =	simm.s32 @!p0 $0x1082;
	s9 =	sld [smem:$0x3FB7]  }
0x2f: {  	lr =	sadd.s32 s0, s3;
	s0 =	sld [smem:$0x3FAE]  }
0x30: {  	s3 =	sld [smem:$0x3FB1]  }
0x31: {  	[smem:$0x3FBA] =	sst s10  }
0x32: {  	s10 =	sld [smem:$0x3FB8];
	_ =	sdelay $0x3  }
0x33: {  	p0 =	seq.s32 s10, $0x1;
	s10 =	sld [smem:$0x3FBA];
	_ =	sdelay $0x3  }
0x34: {  	[smem:$0x3FBA] =	sst s10  }
0x35: {  	s10 =	sld [smem:$0x3FB9];
	_ =	sdelay $0x3  }
0x36: {  	p1 =	seq.s32 s10, $0x1;
	s10 =	sld [smem:$0x3FBA];
	_ =	sdelay $0x3  }
0x37: {  	[smem:$0x3FBA] =	sst s10  }
0x38: {  	s10 =	sld [smem:$0x3FBB]  }
0x39: {  	_ = 	snop;
	(pc) =	sbr.ind lr, $3  }
0x3a: {  	_ = 	snop  }
0x3b: {  	_ = 	snop  }
0x3c: {  	p2 =	seq.s32 s10, $0x1;
	s10 =	sld [smem:$0x3FBA]  }
0x3d: {  	_ =	shalt  }
0x3e: {  	_ =	shalt  }
0x3f: {  	_ =	shalt  }
0x40: {  	_ =	shalt  }
0x41: {  	_ =	shalt  }
0x42: {  	_ =	shalt  }
0x43: {  	_ =	shalt  }
0x44: {  	_ =	shalt  }
0x45: {  	_ =	shalt  }
0x46: {  	_ =	shalt  }
0x47: {  	_ =	shalt  }
0x48: {  	_ =	shalt  }
0x49: {  	_ =	shalt  }
0x4a: {  	_ =	shalt  }
0x4b: {  	_ =	shalt  }
0x4c: {  	_ =	shalt  }
0x4d: {  	_ =	shalt  }
0x4e: {  	_ =	shalt  }
0x4f: {  	_ =	shalt  }
0x50: {  	_ =	shalt  }
0x51: {  	_ =	shalt  }
0x52: {  	_ =	shalt  }
0x53: {  	_ =	shalt  }
0x54: {  	_ =	shalt  }
0x55: {  	_ =	shalt  }
0x56: {  	_ =	shalt  }
0x57: {  	_ =	shalt  }
0x58: {  	_ =	shalt  }
0x59: {  	_ =	shalt  }
0x5a: {  	_ =	shalt  }
0x5b: {  	_ =	shalt  }
0x5c: {  	_ =	shalt  }
0x5d: {  	_ =	shalt  }
0x5e: {  	_ =	shalt  }
0x5f: {  	_ =	shalt  }
0x60: {  	_ =	shalt  }
0x61: {  	_ =	shalt  }
0x62: {  	_ =	shalt  }
0x63: {  	_ =	shalt  }
0x64: {  	_ =	shalt  }
0x65: {  	_ =	shalt  }
0x66: {  	_ =	shalt  }
0x67: {  	_ =	shalt  }
0x68: {  	_ =	shalt  }
0x69: {  	_ =	shalt  }
0x6a: {  	_ =	shalt  }
0x6b: {  	_ =	shalt  }
0x6c: {  	_ =	shalt  }
0x6d: {  	_ =	shalt  }
0x6e: {  	_ =	shalt  }
0x6f: {  	_ =	shalt  }
0x70: {  	_ =	shalt  }
0x71: {  	_ =	shalt  }
0x72: {  	_ =	shalt  }
0x73: {  	_ =	shalt  }
0x74: {  	_ =	shalt  }
0x75: {  	_ =	shalt  }
0x76: {  	_ =	shalt  }
0x77: {  	_ =	shalt  }
0x78: {  	_ =	shalt  }
0x79: {  	_ =	shalt  }
0x7a: {  	_ =	shalt  }
0x7b: {  	_ =	shalt  }
0x7c: {  	_ =	shalt  }
0x7d: {  	_ =	shalt  }
0x7e: {  	_ =	shalt  }
0x7f: {  	_ =	shalt  }
0x80: {  	_ =	shalt  }
0x81: {  	_ =	shalt  }
0x82: {  	_ =	shalt  }
0x83: {  	_ =	shalt  }
0x84: {  	_ =	shalt  }
0x85: {  	_ =	shalt  }
0x86: {  	_ =	shalt  }
0x87: {  	_ =	shalt  }
.Lfunc_end0:
.L_simem_size_0:
called_computation.1_lowered:
.L_overlay_start_0:
0x88: {  	s2 =	sld [smem:$0x3FD9]  }
0x89: {  	s3 =	sld [smem:$0x3FFE];
	_ =	sdelay $0x1  }
0x8a: {  	s1 =	srdreg.scid  }
0x8b: {  	s0 =	sand.u32 $0x1, s1  }
0x8c: {  	s17 =	sshll.u32 s0, $0xA;
	s2 =	sadd.s32 s3, s2  }
0x8d: {  	s2 =	sadd.s32 s2, s17  }
0x8e: {  	[smem:$0x3FC6] =	sst s2  }
0x8f: {  	_ = 	snop  }
0x90: {  	s2 =	sld [smem:$0x3FD0];
	(tm) =	ssettm $0x1  }
0x91: {  	s18 =	sld [smem:$0x3FFB];
	_ =	sdelay $0x3  }
0x92: {  	_ =	strace s18  }
0x93: {  	s3 =	sld [smem:$0x3FFC];
	_ =	sdelay $0x3  }
0x94: {  	_ =	strace s3  }
0x95: {  	s3 =	sld [smem:$0x3FFD];
	_ =	sdelay $0x3  }
0x96: {  	_ =	strace s3  }
0x97: {  	_ =	strace $0x8FFFFFFF  }
0x98: {  	s19 =	sld [smem:$0x3FDB];
	_ =	sdelay $0x1  }
0x99: {  	s4 =	simm.s32 $_scs_section_size  }
0x9a: {  	s5 =	simm.s32 $_size__tile_overlayer_lowered;
	s6 =	simm.s32 $_tile_overlayer_lowered  }
0x9b: {  	s22 =	simm.s32 $0x1BFF;
	s21 =	sshll.u32 s6, $0x1;
	s3 =	sadd.s32 s4, s19  }
0x9c: {  	s7 =	simm.s32 $0x0;
	s20 =	sshll.u32 s5, $0x1;
	s5 =	sadd.s32 s21, s3  }
0x9d: {  	[timem:s7], [sflag:s22] =	dma.local [hbm:s5], s20  }
0x9e: {  	_ =	swait.ge [sflag:s22], s20  }
0x9f: {  	s4 =	ssub.s32 $0x0, s20;
	[sflag:s22] =	ssyncset.done $0x0  }
0xa0: {  	[sflag:s22] =	ssyncadd.s32 s4;
	_ =	sdelay $0x1  }
0xa1: {  	s23 =	simm.s32 $0x1B8B  }
0xa2: {  	_ =	swait.ge [sflag:s23], $0x1  }
0xa3: {  	[sflag:s23] =	ssyncset.done $0x0  }
0xa4: {  	s25 =	simm.s32 $0x1B8E;
	s24 =	sld [smem:$0x3FFE];
	[sflag:s23] =	ssyncadd.s32 $0xFFFFFFFF  }
0xa5: {  	s26 =	simm.s32 $execute0_lowered;
	[smem:$0x3FD2] =	sst s25  }
0xa6: {  	s5 =	sshll.u32 s26, $0x1;
	_ =	strace $0x80000046;
	[dreg:$0x1] =	wrdreg $0xFFFFFFFF  }
0xa7: {  	s28 =	simm.s32 $_size_execute0_lowered;
	s3 =	sadd.s32 s3, s5;
	[dreg:$0x0] =	wrdreg $0x0  }
0xa8: {  	s5 =	sshll.u32 s28, $0x1;
	[dreg:$0x2] =	wrdreg s3  }
0xa9: {  	[dreg:$0x3] =	wrdreg s5  }
0xaa: {  	[dreg:$0x4] =	wrdreg $0xC0  }
0xab: {  	_ =	task [dreg:s7], $0x5FFFF  }
0xac: {  	[dreg:$0x1] =	wrdreg $0xFFFFFFFF  }
0xad: {  	[dreg:$0x0] =	wrdreg $0x60  }
0xae: {  	[dreg:$0x2] =	wrdreg s24  }
0xaf: {  	[dreg:$0x3] =	wrdreg s2  }
0xb0: {  	[dreg:$0x4] =	wrdreg $0x9  }
0xb1: {  	_ =	task.clear_ibuf [dreg:s7], $0x5FFFF;
	_ =	strace $0x90000046  }
0xb2: {  	s29 =	simm.s32 $0x9;
	_ =	strace $0x80000048  }
0xb3: {  	_ =	swait.ge [sflag:s29], $0x1  }
0xb4: {  	[sflag:s29] =	ssyncadd.s32 $0xFFFFFFFF  }
0xb5: {  	_ =	strace $0x90000048  }
0xb6: {  	_ =	sfence  }
0xb7: {  	s30 =	sld [smem:$0x0];
	_ =	sdelay $0x2  }
0xb8: {  	s31 =	sshll.u32 s1, $0xD;
	s1 =	sshrl.u32 s1, $0x2  }
0xb9: {  	s3 =	sand.u32 $0x4000, s31;
	s1 =	sadd.s32 s1, s30  }
0xba: {  	s0 =	sor.u32 s3, s0;
	s1 =	sshll.u32 s1, $0x11  }
0xbb: {  	s0 =	sor.u32 s1, s0  }
0xbc: {  	s0 =	sadd.s32 $0x8F2B, s0  }
0xbd: {  	[sflag:s0] =	ssyncadd.remote.s32 $0x1  }
0xbe: {  	_ =	sfence.sel $0xFFFF  }
0xbf: {  	[dreg:$0x0] =	wrdreg $0xFFFFFFFF;
	(pc) =	sbr.abs _section_cstart, $3  }
0xc0: {  	[dreg:$0x1] =	wrdreg $0xFFFFFFFF  }
0xc1: {  	_ =	task.clear_ibuf [dreg:s7], $0x2FFFF;
	_ =	strace $0x9FFFFFFF  }
0xc2: {  	(tm) =	ssettm $0x7FFFFFFF  }
0xc3: {  	_ =	shalt  }
tec
execute0_lowered:
.L_overlay_start_1:
0x0: {  	(tag) =	ssettag $0x1  }
0x1: {  	s0 =	rddreg [dreg:$0x0];
	s1 =	srdreg.scid  }
0x2: {  	s10 =	stileid.u32;
	s8 =	rddreg [dreg:$0x1];
	s2 =	simm.s32 $0x0  }
0x3: {  	s11 =	simm.s32 $0x80;
	s12 =	simm.s32 $0x6400;
	s13 =	simm.s32 $0x8400  }
0x4: {  	s15 =	simm.s32 $0xA400;
	s17 =	simm.s32 $0xC400;
	s19 =	simm.s32 $0xE400  }
0x5: {  	s20 =	simm.s32 $0x1;
	s21 =	simm.s32 $0x10400;
	s22 =	simm.s32 $0x12400  }
0x6: {  	s23 =	simm.s32 $0x14400;
	s24 =	simm.s32 $0x16400;
	s9 =	smul.u32 $0xC800, s10  }
0x7: {  	s30 =	simm.s32 $0x6280;
	s1 =	sand.u32 $0x1, s1;
	s26 =	smul.u32 $0x64000, s10  }
0x8: {  	s31 =	simm.s32 $0x6300;
	s3 =	sshll.u32 s10, $0x1;
	s25 =	smul.u32 $0x6400, s1  }
0x9: {  	s3 =	sor.u32 s1, s3;
	s5 =	ssub.s32 $0x2, s1;
	s1 =	smul.u32 $0x32000, s1  }
0xa: {  	[smem:$0x7FF] =	sst s2;
	s10 =	simm.s32 $0x3;
	s4 =	smul.u32 $0xC80, s3  }
0xb: {  	_ =	strace $0x80000047;
	s6 =	smul.u32 $0x32000, s3;
	s7 =	sshrl.u32 s5, $0x1  }
0xc: {  	s3 =	sadd.s32 $0x19800, s0;
	s5 =	ssub.s32 s5, s7;
	s7 =	sadd.s32 s25, s9  }
0xd: {  	s25 =	simm.s32 $0x18400;
	s0 =	sadd.s32 s4, s0;
	s5 =	smax.u32 s5, $0x1  }
0xe: {  	s28 =	sadd.s32 s8, s6;
	s9 =	sshll.u32 s7, $0x3;
	s4 =	sadd.s32 $0x800, s0  }
0xf: {  	s6 =	sadd.s32 $0x2F800, s28;
	s0 =	sadd.s32 s26, s8;
	s7 =	sadd.s32 $0x30C00, s28  }
0x10: {  	s29 =	sadd.s32 s9, s8;
	s26 =	simm.s32 $0x2;
	s16 =	sadd.s32 s1, s0  }
0x11: {  	s18 =	sadd.s32 $0x1400, s29;
	s1 =	simm.s32 $0x6380;
	s0 =	simm.s32 $0x0  }
.LBB2_1:
0x12: {  	[tilespmem:s2], [sflag:$0x3] =	stream.linear.gather [hbm4b:s4+s2], $0x6400, $0x38;
	[tilespmem:$0x1A400] =	vst v63  }
0x13: {  	_ =	swait.ge [sflag:s10], $0x6400  }
0x14: {  	[sflag:s10] =	ssyncset.done $0x0  }
0x15: {  	[sflag:s10] =	ssyncadd.s32 $0xFFFF9C00  }
0x16: {  	[tilespmem:s12], [sflag:$0x1] =	stream.indirect.gather [hbm4b:s3+s11], $0x40, s2, s11, $0xb8;
	[tilespmem:$0x1A400] =	vst v63  }
0x17: {  	_ = 	snop  }
0x18: {  	[tilespmem:s13], [sflag:$0x1] =	stream.indirect.gather [hbm4b:s3+s11], $0x40, s11, s11, $0xb8;
	[tilespmem:$0x1A400] =	vst v63  }
0x19: {  	s8 =	simm.s32 $0x100  }
0x1a: {  	[tilespmem:s15], [sflag:$0x1] =	stream.indirect.gather [hbm4b:s3+s11], $0x40, s8, s11, $0xb8;
	[tilespmem:$0x1A400] =	vst v63  }
0x1b: {  	s9 =	simm.s32 $0x180  }
0x1c: {  	[tilespmem:s17], [sflag:$0x1] =	stream.indirect.gather [hbm4b:s3+s11], $0x40, s9, s11, $0xb8;
	[tilespmem:$0x1A400] =	vst v63  }
0x1d: {  	s14 =	simm.s32 $0x200  }
0x1e: {  	[tilespmem:s19], [sflag:$0x1] =	stream.indirect.gather [hbm4b:s3+s11], $0x40, s14, s11, $0xb8;
	[tilespmem:$0x1A400] =	vst v63  }
0x1f: {  	_ =	swait.ge [sflag:s20], $0x2000  }
0x20: {  	[sflag:s20] =	ssyncset.done $0x0  }
0x21: {  	[sflag:s20] =	ssyncadd.s32 $0xFFFFE000  }
0x22: {  	_ =	swait.ge [sflag:s20], $0x2000  }
0x23: {  	[sflag:s20] =	ssyncset.done $0x0  }
0x24: {  	[sflag:s20] =	ssyncadd.s32 $0xFFFFE000  }
0x25: {  	_ =	swait.ge [sflag:s20], $0x2000  }
0x26: {  	[sflag:s20] =	ssyncset.done $0x0  }
0x27: {  	[sflag:s20] =	ssyncadd.s32 $0xFFFFE000  }
0x28: {  	_ =	swait.ge [sflag:s20], $0x2000  }
0x29: {  	[sflag:s20] =	ssyncset.done $0x0  }
0x2a: {  	[sflag:s20] =	ssyncadd.s32 $0xFFFFE000  }
0x2b: {  	_ =	swait.ge [sflag:s20], $0x2000  }
0x2c: {  	[sflag:s20] =	ssyncset.done $0x0  }
0x2d: {  	s28 =	simm.s32 $0x280;
	[sflag:s20] =	ssyncadd.s32 $0xFFFFE000  }
0x2e: {  	[tilespmem:s21], [sflag:$0x2] =	stream.indirect.gather [hbm4b:s3+s11], $0x40, s28, s11, $0xb8;
	[tilespmem:$0x1A400] =	vst v63  }
0x2f: {  	s29 =	simm.s32 $0x300  }
0x30: {  	[tilespmem:s22], [sflag:$0x2] =	stream.indirect.gather [hbm4b:s3+s11], $0x40, s29, s11, $0xb8;
	[tilespmem:$0x1A400] =	vst v63  }
0x31: {  	s9 =	simm.s32 $0x380  }
0x32: {  	[tilespmem:s23], [sflag:$0x2] =	stream.indirect.gather [hbm4b:s3+s11], $0x40, s9, s11, $0xb8;
	[tilespmem:$0x1A400] =	vst v63  }
0x33: {  	s14 =	simm.s32 $0x400  }
0x34: {  	[tilespmem:s24], [sflag:$0x2] =	stream.indirect.gather [hbm4b:s3+s11], $0x40, s14, s11, $0xb8;
	[tilespmem:$0x1A400] =	vst v63  }
0x35: {  	s28 =	simm.s32 $0x480  }
0x36: {  	[tilespmem:s25], [sflag:$0x2] =	stream.indirect.gather [hbm4b:s3+s11], $0x40, s28, s11, $0xb8;
	[tilespmem:$0x1A400] =	vst v63  }
0x37: {  	_ = 	snop  }
0x38: {  	[hbm4b:s16+s2] =	stream.linear.scatter [tilespmem:s12], [sflag:$0x3], $0xA000, $0x38;
	[tilespmem:$0x1A400] =	vst v63  }
0x39: {  	_ =	swait.ge [sflag:s10], $0xA000  }
0x3a: {  	[sflag:s10] =	ssyncset.done $0x0  }
0x3b: {  	[sflag:s10] =	ssyncadd.s32 $0xFFFF6000  }
0x3c: {  	_ =	swait.ge [sflag:s26], $0x2000  }
0x3d: {  	[sflag:s26] =	ssyncset.done $0x0  }
0x3e: {  	[sflag:s26] =	ssyncadd.s32 $0xFFFFE000  }
0x3f: {  	_ =	swait.ge [sflag:s26], $0x2000  }
0x40: {  	[sflag:s26] =	ssyncset.done $0x0  }
0x41: {  	[sflag:s26] =	ssyncadd.s32 $0xFFFFE000  }
0x42: {  	_ =	swait.ge [sflag:s26], $0x2000  }
0x43: {  	[sflag:s26] =	ssyncset.done $0x0  }
0x44: {  	[sflag:s26] =	ssyncadd.s32 $0xFFFFE000  }
0x45: {  	_ =	swait.ge [sflag:s26], $0x2000  }
0x46: {  	[sflag:s26] =	ssyncset.done $0x0  }
0x47: {  	[sflag:s26] =	ssyncadd.s32 $0xFFFFE000  }
0x48: {  	_ =	swait.ge [sflag:s26], $0x2000  }
0x49: {  	[sflag:s26] =	ssyncset.done $0x0  }
0x4a: {  	s29 =	simm.s32 $0x500;
	[sflag:s26] =	ssyncadd.s32 $0xFFFFE000  }
0x4b: {  	[tilespmem:s12], [sflag:$0x1] =	stream.indirect.gather [hbm4b:s3+s11], $0x40, s29, s11, $0xb8;
	[tilespmem:$0x1A400] =	vst v63  }
0x4c: {  	s9 =	simm.s32 $0x580  }
0x4d: {  	[tilespmem:s13], [sflag:$0x1] =	stream.indirect.gather [hbm4b:s3+s11], $0x40, s9, s11, $0xb8;
	[tilespmem:$0x1A400] =	vst v63  }
0x4e: {  	s14 =	simm.s32 $0x600  }
0x4f: {  	[tilespmem:s15], [sflag:$0x1] =	stream.indirect.gather [hbm4b:s3+s11], $0x40, s14, s11, $0xb8;
	[tilespmem:$0x1A400] =	vst v63  }
0x50: {  	s28 =	simm.s32 $0x680  }
0x51: {  	[tilespmem:s17], [sflag:$0x1] =	stream.indirect.gather [hbm4b:s3+s11], $0x40, s28, s11, $0xb8;
	[tilespmem:$0x1A400] =	vst v63  }
0x52: {  	s29 =	simm.s32 $0x700  }
0x53: {  	[tilespmem:s19], [sflag:$0x1] =	stream.indirect.gather [hbm4b:s3+s11], $0x40, s29, s11, $0xb8;
	[tilespmem:$0x1A400] =	vst v63  }
0x54: {  	_ = 	snop  }
0x55: {  	[hbm4b:s18+s2] =	stream.linear.scatter [tilespmem:s21], [sflag:$0x3], $0xA000, $0x38;
	[tilespmem:$0x1A400] =	vst v63  }
0x56: {  	s8 =	smov.u32 s16;
	_ =	swait.ge [sflag:s10], $0xA000  }
0x57: {  	s9 =	smov.u32 s18;
	s14 =	simm.s32 $0x1400;
	[sflag:s10] =	ssyncset.done $0x0  }
.LBB2_2:
0x58: {  	[sflag:s10] =	ssyncadd.s32 $0xFFFF6000;
	s8 =	sadd.s32 $0x2800, s8;
	s9 =	sadd.s32 $0x2800, s9  }
0x59: {  	p0 =	sne.s32 s14, $0x16800;
	s28 =	smov.u32 s14;
	s14 =	sadd.s32 $0x1400, s14  }
0x5a: {  	_ =	swait.ge [sflag:s20], $0x2000  }
0x5b: {  	[sflag:s20] =	ssyncset.done $0x0  }
0x5c: {  	[sflag:s20] =	ssyncadd.s32 $0xFFFFE000  }
0x5d: {  	_ =	swait.ge [sflag:s20], $0x2000  }
0x5e: {  	[sflag:s20] =	ssyncset.done $0x0  }
0x5f: {  	[sflag:s20] =	ssyncadd.s32 $0xFFFFE000  }
0x60: {  	_ =	swait.ge [sflag:s20], $0x2000  }
0x61: {  	[sflag:s20] =	ssyncset.done $0x0  }
0x62: {  	[sflag:s20] =	ssyncadd.s32 $0xFFFFE000  }
0x63: {  	_ =	swait.ge [sflag:s20], $0x2000  }
0x64: {  	[sflag:s20] =	ssyncset.done $0x0  }
0x65: {  	[sflag:s20] =	ssyncadd.s32 $0xFFFFE000  }
0x66: {  	_ =	swait.ge [sflag:s20], $0x2000  }
0x67: {  	s28 =	sshra.s32 s28, $0x2;
	[sflag:s20] =	ssyncset.done $0x0  }
0x68: {  	s29 =	sadd.s32 $0x280, s28;
	[sflag:s20] =	ssyncadd.s32 $0xFFFFE000  }
0x69: {  	[tilespmem:s21], [sflag:$0x2] =	stream.indirect.gather [hbm4b:s3+s11], $0x40, s29, s11, $0xb8;
	[tilespmem:$0x1A400] =	vst v63  }
0x6a: {  	s29 =	sadd.s32 $0x300, s28  }
0x6b: {  	[tilespmem:s22], [sflag:$0x2] =	stream.indirect.gather [hbm4b:s3+s11], $0x40, s29, s11, $0xb8;
	[tilespmem:$0x1A400] =	vst v63  }
0x6c: {  	s29 =	sadd.s32 $0x380, s28  }
0x6d: {  	[tilespmem:s23], [sflag:$0x2] =	stream.indirect.gather [hbm4b:s3+s11], $0x40, s29, s11, $0xb8;
	[tilespmem:$0x1A400] =	vst v63  }
0x6e: {  	s29 =	sadd.s32 $0x400, s28  }
0x6f: {  	[tilespmem:s24], [sflag:$0x2] =	stream.indirect.gather [hbm4b:s3+s11], $0x40, s29, s11, $0xb8;
	[tilespmem:$0x1A400] =	vst v63  }
0x70: {  	s29 =	sadd.s32 $0x480, s28  }
0x71: {  	[tilespmem:s25], [sflag:$0x2] =	stream.indirect.gather [hbm4b:s3+s11], $0x40, s29, s11, $0xb8;
	[tilespmem:$0x1A400] =	vst v63  }
0x72: {  	_ = 	snop  }
0x73: {  	[hbm4b:s8+s2] =	stream.linear.scatter [tilespmem:s12], [sflag:$0x3], $0xA000, $0x38;
	[tilespmem:$0x1A400] =	vst v63  }
0x74: {  	_ =	swait.ge [sflag:s10], $0xA000  }
0x75: {  	[sflag:s10] =	ssyncset.done $0x0  }
0x76: {  	[sflag:s10] =	ssyncadd.s32 $0xFFFF6000  }
0x77: {  	_ =	swait.ge [sflag:s26], $0x2000  }
0x78: {  	[sflag:s26] =	ssyncset.done $0x0  }
0x79: {  	[sflag:s26] =	ssyncadd.s32 $0xFFFFE000  }
0x7a: {  	_ =	swait.ge [sflag:s26], $0x2000  }
0x7b: {  	[sflag:s26] =	ssyncset.done $0x0  }
0x7c: {  	[sflag:s26] =	ssyncadd.s32 $0xFFFFE000  }
0x7d: {  	_ =	swait.ge [sflag:s26], $0x2000  }
0x7e: {  	[sflag:s26] =	ssyncset.done $0x0  }
0x7f: {  	[sflag:s26] =	ssyncadd.s32 $0xFFFFE000  }
0x80: {  	_ =	swait.ge [sflag:s26], $0x2000  }
0x81: {  	[sflag:s26] =	ssyncset.done $0x0  }
0x82: {  	[sflag:s26] =	ssyncadd.s32 $0xFFFFE000  }
0x83: {  	_ =	swait.ge [sflag:s26], $0x2000  }
0x84: {  	[sflag:s26] =	ssyncset.done $0x0  }
0x85: {  	s29 =	sadd.s32 $0x500, s28;
	[sflag:s26] =	ssyncadd.s32 $0xFFFFE000  }
0x86: {  	[tilespmem:s12], [sflag:$0x1] =	stream.indirect.gather [hbm4b:s3+s11], $0x40, s29, s11, $0xb8;
	[tilespmem:$0x1A400] =	vst v63  }
0x87: {  	s29 =	sadd.s32 $0x580, s28  }
0x88: {  	[tilespmem:s13], [sflag:$0x1] =	stream.indirect.gather [hbm4b:s3+s11], $0x40, s29, s11, $0xb8;
	[tilespmem:$0x1A400] =	vst v63  }
0x89: {  	s29 =	sadd.s32 $0x600, s28  }
0x8a: {  	[tilespmem:s15], [sflag:$0x1] =	stream.indirect.gather [hbm4b:s3+s11], $0x40, s29, s11, $0xb8;
	[tilespmem:$0x1A400] =	vst v63  }
0x8b: {  	s29 =	sadd.s32 $0x680, s28  }
0x8c: {  	[tilespmem:s17], [sflag:$0x1] =	stream.indirect.gather [hbm4b:s3+s11], $0x40, s29, s11, $0xb8;
	[tilespmem:$0x1A400] =	vst v63  }
0x8d: {  	s28 =	sadd.s32 $0x700, s28  }
0x8e: {  	[tilespmem:s19], [sflag:$0x1] =	stream.indirect.gather [hbm4b:s3+s11], $0x40, s28, s11, $0xb8;
	[tilespmem:$0x1A400] =	vst v63  }
.Ltmp0:
0x8f: {  	_ = 	snop;
	(pc) =	sbr.rel @p0 .LBB2_2-.Ltmp0, $4  }
0x90: {  	_ = 	snop  }
0x91: {  	[hbm4b:s9+s2] =	stream.linear.scatter [tilespmem:s21], [sflag:$0x3], $0xA000, $0x38;
	[tilespmem:$0x1A400] =	vst v63  }
0x92: {  	_ =	swait.ge [sflag:s10], $0xA000  }
0x93: {  	[sflag:s10] =	ssyncset.done $0x0  }
0x94: {  	[sflag:s10] =	ssyncadd.s32 $0xFFFF6000  }
0x95: {  	_ =	swait.ge [sflag:s20], $0x2000  }
0x96: {  	[sflag:s20] =	ssyncset.done $0x0  }
0x97: {  	[sflag:s20] =	ssyncadd.s32 $0xFFFFE000  }
0x98: {  	_ =	swait.ge [sflag:s20], $0x2000  }
0x99: {  	[sflag:s20] =	ssyncset.done $0x0  }
0x9a: {  	[sflag:s20] =	ssyncadd.s32 $0xFFFFE000  }
0x9b: {  	_ =	swait.ge [sflag:s20], $0x2000  }
0x9c: {  	[sflag:s20] =	ssyncset.done $0x0  }
0x9d: {  	[sflag:s20] =	ssyncadd.s32 $0xFFFFE000  }
0x9e: {  	_ =	swait.ge [sflag:s20], $0x2000  }
0x9f: {  	[sflag:s20] =	ssyncset.done $0x0  }
0xa0: {  	[sflag:s20] =	ssyncadd.s32 $0xFFFFE000  }
0xa1: {  	_ =	swait.ge [sflag:s20], $0x2000  }
0xa2: {  	[sflag:s20] =	ssyncset.done $0x0  }
0xa3: {  	s8 =	simm.s32 $0x6180;
	[sflag:s20] =	ssyncadd.s32 $0xFFFFE000  }
0xa4: {  	[tilespmem:s21], [sflag:$0x2] =	stream.indirect.gather [hbm4b:s3+s11], $0x40, s8, s11, $0xb8;
	[tilespmem:$0x1A400] =	vst v63  }
0xa5: {  	s29 =	simm.s32 $0x6200  }
0xa6: {  	[tilespmem:s22], [sflag:$0x2] =	stream.indirect.gather [hbm4b:s3+s11], $0x40, s29, s11, $0xb8;
	[tilespmem:$0x1A400] =	vst v63  }
0xa7: {  	_ = 	snop  }
0xa8: {  	[tilespmem:s23], [sflag:$0x2] =	stream.indirect.gather [hbm4b:s3+s11], $0x40, s30, s11, $0xb8;
	[tilespmem:$0x1A400] =	vst v63  }
0xa9: {  	_ = 	snop  }
0xaa: {  	[tilespmem:s24], [sflag:$0x2] =	stream.indirect.gather [hbm4b:s3+s11], $0x40, s31, s11, $0xb8;
	[tilespmem:$0x1A400] =	vst v63  }
0xab: {  	_ = 	snop  }
0xac: {  	[tilespmem:s25], [sflag:$0x2] =	stream.indirect.gather [hbm4b:s3+s11], $0x40, s1, s11, $0xb8;
	[tilespmem:$0x1A400] =	vst v63  }
0xad: {  	_ = 	snop  }
0xae: {  	[hbm4b:s6+s2] =	stream.linear.scatter [tilespmem:s12], [sflag:$0x3], $0xA000, $0x38;
	[tilespmem:$0x1A400] =	vst v63  }
0xaf: {  	_ =	swait.ge [sflag:s10], $0xA000  }
0xb0: {  	[sflag:s10] =	ssyncset.done $0x0  }
0xb1: {  	[sflag:s10] =	ssyncadd.s32 $0xFFFF6000  }
0xb2: {  	_ =	swait.ge [sflag:s26], $0x2000  }
0xb3: {  	[sflag:s26] =	ssyncset.done $0x0  }
0xb4: {  	[sflag:s26] =	ssyncadd.s32 $0xFFFFE000  }
0xb5: {  	_ =	swait.ge [sflag:s26], $0x2000  }
0xb6: {  	[sflag:s26] =	ssyncset.done $0x0  }
0xb7: {  	[sflag:s26] =	ssyncadd.s32 $0xFFFFE000  }
0xb8: {  	_ =	swait.ge [sflag:s26], $0x2000  }
0xb9: {  	[sflag:s26] =	ssyncset.done $0x0  }
0xba: {  	[sflag:s26] =	ssyncadd.s32 $0xFFFFE000  }
0xbb: {  	_ =	swait.ge [sflag:s26], $0x2000  }
0xbc: {  	[sflag:s26] =	ssyncset.done $0x0  }
0xbd: {  	[sflag:s26] =	ssyncadd.s32 $0xFFFFE000  }
0xbe: {  	s0 =	sadd.s32 $0x1, s0;
	_ =	swait.ge [sflag:s26], $0x2000  }
0xbf: {  	p0 =	sne.s32 s0, s5;
	[sflag:s26] =	ssyncset.done $0x0  }
.Ltmp1:
0xc0: {  	[sflag:s26] =	ssyncadd.s32 $0xFFFFE000;
	(pc) =	sbr.rel @p0 .LBB2_1-.Ltmp1, $4  }
0xc1: {  	[hbm4b:s7+s2] =	stream.linear.scatter [tilespmem:s21], [sflag:$0x3], $0xA000, $0x38;
	[tilespmem:$0x1A400] =	vst v63  }
0xc2: {  	_ =	swait.ge [sflag:s10], $0xA000  }
0xc3: {  	[sflag:s10] =	ssyncset.done $0x0  }
0xc4: {  	[sflag:s10] =	ssyncadd.s32 $0xFFFF6000  }
0xc5: {  	_ =	sfence.sel $0x180000  }
0xc6: {  	[bflag:$0x0] =	sbarrier.arrive $0xFFFF  }
0xc7: {  	_ =	strace $0x90000047  }
0xc8: {  	s0 =	stileid.u32;
	[bflag:$0x2] =	sbarrier.arrive $0xFFFF  }
0xc9: {  	p0 =	sne.s32 s0, $0x0;
	s0 =	rddreg [dreg:$0x2]  }
0xca: {  	s0 =	sadd.s32 @!p0 $0x100000, s0  }
0xcb: {  	[sflag:s0] =	ssyncadd.tile.s32 @!p0 $0x1;
	_ =	shalt  }
.Lfunc_end2:
_tile_overlayer_lowered:
.L_overlay_start_2:
0xcc: {  	(tag) =	ssettag $0x2  }
0xcd: {  	s0 =	rddreg [dreg:$0x0];
	s2 =	stileid.u32  }
0xce: {  	s1 =	rddreg [dreg:$0x1];
	p0 =	sne.s32 s2, $0x0  }
0xcf: {  	s3 =	rddreg [dreg:$0x2];
	[bflag:$0x3] =	sbarrier.arrive $0xFFFF;
	s2 =	simm.s32 @!p0 $0x1C03  }
0xd0: {  	[timem:s3], [sflag:s2] =	dma.local @!p0 [hbm:s0], s1  }
0xd1: {  	s0 =	simm.s32 @!p0 $0x3  }
0xd2: {  	_ =	swait.ge @!p0 [sflag:s0], s1  }
0xd3: {  	s1 =	ssub.s32 @!p0 $0x0, s1;
	[sflag:s0] =	ssyncset.done @!p0 $0x0  }
0xd4: {  	[sflag:s0] =	ssyncadd.s32 @!p0 s1  }
0xd5: {  	[bflag:$0x3] =	sbarrier.arrive $0xFFFF  }
0xd6: {  	_ =	shalt  }

// kernel: sparse-core-data-format-call.cloned.1.call-start
scs
called_computation_lowered:
.L_overlay_start_0:
0x0: {  	s2 =	sld [smem:$0x3FD9]  }
0x1: {  	s3 =	sld [smem:$0x3FFE];
	_ =	sdelay $0x1  }
0x2: {  	s1 =	srdreg.scid  }
0x3: {  	s0 =	sand.u32 $0x1, s1  }
0x4: {  	s18 =	sshll.u32 s0, $0xA;
	s2 =	sadd.s32 s3, s2  }
0x5: {  	s2 =	sadd.s32 s2, s18  }
0x6: {  	[smem:$0x3FC6] =	sst s2  }
0x7: {  	_ = 	snop  }
0x8: {  	s2 =	sld [smem:$0x3FD0];
	(tm) =	ssettm $0x1  }
0x9: {  	s19 =	sld [smem:$0x3FFB];
	_ =	sdelay $0x3  }
0xa: {  	_ =	strace s19  }
0xb: {  	s3 =	sld [smem:$0x3FFC];
	_ =	sdelay $0x3  }
0xc: {  	_ =	strace s3  }
0xd: {  	s3 =	sld [smem:$0x3FFD];
	_ =	sdelay $0x3  }
0xe: {  	_ =	strace s3  }
0xf: {  	_ =	strace $0x8FFFFFFF  }
0x10: {  	s20 =	sld [smem:$0x3FDB];
	_ =	sdelay $0x1  }
0x11: {  	s4 =	simm.s32 $_scs_section_size  }
0x12: {  	s5 =	simm.s32 $_size__tile_overlayer_lowered;
	s6 =	simm.s32 $_tile_overlayer_lowered  }
0x13: {  	s23 =	simm.s32 $0x1BFF;
	s22 =	sshll.u32 s6, $0x1;
	s3 =	sadd.s32 s4, s20  }
0x14: {  	s7 =	simm.s32 $0x0;
	s21 =	sshll.u32 s5, $0x1;
	s5 =	sadd.s32 s22, s3  }
0x15: {  	[timem:s7], [sflag:s23] =	dma.local [hbm:s5], s21  }
0x16: {  	_ =	swait.ge [sflag:s23], s21  }
0x17: {  	s4 =	ssub.s32 $0x0, s21;
	[sflag:s23] =	ssyncset.done $0x0  }
0x18: {  	[sflag:s23] =	ssyncadd.s32 s4;
	_ =	sdelay $0x1  }
0x19: {  	s24 =	simm.s32 $0x1B8B  }
0x1a: {  	_ =	swait.ge [sflag:s24], $0x1  }
0x1b: {  	[sflag:s24] =	ssyncset.done $0x0  }
0x1c: {  	s26 =	simm.s32 $0x1B8E;
	s25 =	sld [smem:$0x3FFE];
	[sflag:s24] =	ssyncadd.s32 $0xFFFFFFFF  }
0x1d: {  	s27 =	simm.s32 $execute0_lowered;
	[smem:$0x3FD2] =	sst s26  }
0x1e: {  	s5 =	sshll.u32 s27, $0x1;
	_ =	strace $0x80000049;
	[dreg:$0x1] =	wrdreg $0xFFFFFFFF  }
0x1f: {  	s28 =	simm.s32 $_size_execute0_lowered;
	s3 =	sadd.s32 s3, s5;
	[dreg:$0x0] =	wrdreg $0x0  }
0x20: {  	s5 =	sshll.u32 s28, $0x1;
	[dreg:$0x2] =	wrdreg s3  }
0x21: {  	[dreg:$0x3] =	wrdreg s5  }
0x22: {  	[dreg:$0x4] =	wrdreg $0xC0  }
0x23: {  	_ =	task [dreg:s7], $0x5FFFF  }
0x24: {  	[dreg:$0x1] =	wrdreg $0xFFFFFFFF  }
0x25: {  	[dreg:$0x0] =	wrdreg $0x60  }
0x26: {  	[dreg:$0x2] =	wrdreg s25  }
0x27: {  	[dreg:$0x3] =	wrdreg s2  }
0x28: {  	[dreg:$0x4] =	wrdreg $0x9  }
0x29: {  	_ =	task.clear_ibuf [dreg:s7], $0x5FFFF;
	_ =	strace $0x90000049  }
0x2a: {  	s29 =	simm.s32 $0x9;
	_ =	strace $0x8000004B  }
0x2b: {  	_ =	swait.ge [sflag:s29], $0x1  }
0x2c: {  	[sflag:s29] =	ssyncadd.s32 $0xFFFFFFFF  }
0x2d: {  	_ =	strace $0x9000004B  }
0x2e: {  	_ =	sfence  }
0x2f: {  	s30 =	sld [smem:$0x0];
	_ =	sdelay $0x2  }
0x30: {  	s31 =	sshll.u32 s1, $0xD;
	s1 =	sshrl.u32 s1, $0x2  }
0x31: {  	s3 =	sand.u32 $0x4000, s31;
	s1 =	sadd.s32 s1, s30  }
0x32: {  	s0 =	sor.u32 s3, s0;
	s1 =	sshll.u32 s1, $0x11  }
0x33: {  	s0 =	sor.u32 s1, s0  }
0x34: {  	s0 =	sadd.s32 $0x8F2B, s0  }
0x35: {  	[sflag:s0] =	ssyncadd.remote.s32 $0x1  }
0x36: {  	_ =	sfence.sel $0xFFFF  }
0x37: {  	[dreg:$0x0] =	wrdreg $0xFFFFFFFF;
	(pc) =	sbr.abs _section_cstart, $3  }
0x38: {  	[dreg:$0x1] =	wrdreg $0xFFFFFFFF  }
0x39: {  	_ =	task.clear_ibuf [dreg:s7], $0x2FFFF;
	_ =	strace $0x9FFFFFFF  }
0x3a: {  	(tm) =	ssettm $0x7FFFFFFF  }
0x3b: {  	_ =	shalt  }
tec
execute0_lowered:
.L_overlay_start_1:
0x0: {  	(tag) =	ssettag $0x1  }
0x1: {  	s0 =	srdreg.scid  }
0x2: {  	s1 =	sshll.u32 s0, $0x4  }
0x3: {  	s0 =	stileid.u32;
	s1 =	sand.u32 $0x10, s1  }
0x4: {  	s1 =	sor.u32 s0, s1  }
0x5: {  	s6 =	rddreg [dreg:$0x0];
	s4 =	simm.s32 $0x1;
	s2 =	sshll.u32 s1, $0x7  }
0x6: {  	s7 =	simm.s32 $0x2;
	s12 =	simm.s32 $0x0;
	s1 =	ssub.s32 $0x4000, s2  }
0x7: {  	s8 =	simm.s32 $0x20000;
	s13 =	simm.s32 $0x0;
	s3 =	sand.u32 $0xF80, s1  }
0x8: {  	s9 =	simm.s32 $0x0;
	s5 =	sshrl.u32 s1, $0xC;
	p0 =	sne.s32 s3, $0x0  }
.Ltmp0:
0x9: {  	s1 =	rddreg [dreg:$0x2];
	s4 =	simm.s32 @!p0 $0x0;
	(pc) =	sbr.rel .LBB1_1-.Ltmp0, $4  }
0xa: {  	s11 =	simm.s32 $0x0;
	s3 =	rddreg [dreg:$0x1];
	s5 =	sadd.s32 s4, s5  }
0xb: {  	_ =	strace $0x8000004A;
	s4 =	simm.s32 $0x1;
	s5 =	smul.u32 $0x32, s5  }
0xc: {  	s6 =	sadd.s32 $0x800, s6;
	s10 =	smov.u32 s2;
	[sflag:s4] =	ssyncpa.u1 $0x0  }
0xd: {  	p0 =	por $0x0, $0x0;
	[sflag:s7] =	ssyncpa.u1 $0x0;
	s7 =	sor.u32 $0x1, s5  }
.LBB1_4:
0xe: {  	s16 =	sshll.u32 s13, $0x3;
	s17 =	sand.u32 $0x78, s13  }
0xf: {  	s30 =	sand.u32 $0x1F800, s13;
	s12 =	sshll.u32 s12, $0x11;
	s16 =	sand.u32 $0x3C00, s16  }
0x10: {  	[tilespmem:s15+$0x810 ss:$0x81] =	vst.msk $0xffff, v2;
	s31 =	sand.u32 $0x7, s13;
	s16 =	sor.u32 s17, s16;
	s17 =	sadd.s32 s3, s30  }
0x11: {  	[tilespmem:s15+$0x1020 ss:$0x81] =	vst.msk $0xffff, v0;
	s13 =	sshll.u32 s31, $0x12;
	s12 =	sadd.s32 s12, s17;
	s16 =	sshrl.u32 s16, $0x3  }
0x12: {  	[tilespmem:s15+$0x0 ss:$0x81] =	vst.msk $0xffff, v1;
	s13 =	sor.u32 $0x400, s13;
	s12 =	sadd.s32 s16, s12  }
0x13: {  	[hbm4b:s12+s13] =	stream.strided.scatter [tilespmem:s14], [sflag:$0x2], $0x2000, s8, s13, $0x20;
	[tilespmem:$0x8080] =	vst v63  }
.LBB1_5:
0x14: {  	s14 =	sadd.s32 $0x1, s9  }
0x15: {  	s12 =	sadd.s32 $0x1000, s10;
	s16 =	smov.u32 s10;
	p2 =	sgt.s32 s14, $0x31  }
0x16: {  	s16 =	smov.u32 @p2 s12  }
0x17: {  	s14 =	simm.s32 @p2 $0x0;
	p2 =	sgt.s32 s16, $0x3FFF  }
0x18: {  	s16 =	smov.u32 @p2 s2;
	p2 =	sne.s32 s11, s7  }
.Ltmp1:
0x19: {  	p1 =	slt.u32 s11, $0x2;
	(pc) =	sbr.rel @!p2 .LBB1_6-.Ltmp1, $4  }
0x1a: {  	s15 =	simm.s32 @!p1 $0x2  }
0x1b: {  	s13 =	smov.u32 s10;
	p0 =	por !p0, !p0;
	_ =	swait.ge @!p1 [sflag:s15], $0x2000  }
0x1c: {  	s12 =	smov.u32 s9;
	[sflag:s15] =	ssyncset.done @!p1 $0x0;
	s9 =	smov.u32 s14  }
0x1d: {  	s11 =	sadd.s32 $0x1, s11;
	[sflag:s15] =	ssyncadd.s32 @!p1 $0xFFFFE000;
	s10 =	smov.u32 s16  }
.LBB1_1:
0x1e: {  	p1 =	sge.u32 s11, s5  }
0x1f: {  	s14 =	sand.u32 @!p1 $0x1FFFFFF, s9  }
0x20: {  	s15 =	smulhi.u32 @!p1 $0x4924925, s14;
	_ =	sdelay $0x1  }
0x21: {  	s15 =	smul.u32 @!p1 $0x38, s15  }
0x22: {  	s16 =	sxor.u32 @!p1 $0xFFFFFFFF, s11;
	s17 =	smul.u32 @!p1 $0x380, s10  }
0x23: {  	s31 =	sadd.s32 $0xFFFFFFFF, s11;
	s16 =	sshll.u32 @!p1 s16, $0xD;
	s14 =	ssub.s32 @!p1 s14, s15  }
0x24: {  	s15 =	sand.u32 @!p1 $0x2000, s16;
	s16 =	sadd.s32 @!p1 s6, s17;
	s14 =	sshll.u32 @!p1 s14, $0x4  }
0x25: {  	s17 =	simm.s32 @!p1 $0x1C00;
	s14 =	sadd.s32 @!p1 s14, s16;
	s16 =	simm.s32 @!p1 $0x40  }
0x26: {  	[tilespmem:s15], [sflag:$0x1] =	stream.strided.gather @!p1 [hbm4b:s14+s16], $0x2000, s17, s16, $0x38;
	[tilespmem:$0x8080] =	vst v63  }
0x27: {  	p1 =	sge.u32 s31, s5  }
.Ltmp2:
0x28: {  	_ = 	snop;
	(pc) =	sbr.rel @p1 .LBB1_5-.Ltmp2, $1  }
0x29: {  	_ =	sdelay $0x3  }
0x2a: {  	s14 =	simm.s32 $0x1  }
0x2b: {  	_ =	swait.ge [sflag:s4], $0x2000;
	s14 =	simm.s32 @!p0 $0x0  }
0x2c: {  	[sflag:s4] =	ssyncset.done $0x0;
	s15 =	sshll.u32 s14, $0xD  }
0x2d: {  	[sflag:s4] =	ssyncadd.s32 $0xFFFFE000;
	s18 =	sor.u32 $0x20, s15  }
0x2e: {  	s14 =	smul.u32 $0x8100, s14;
	v3 =	vld [tilespmem:s18+$0x10]  }
0x2f: {  	s30 =	sand.u32 $0x1, s11;
	v2 =	vld [tilespmem:s18+$0xFFFFFFF0]  }
0x30: {  	s15 =	smul.u32 $0x8100, s30;
	s14 =	sshrl.u32 s14, $0x2;
	v0 =	vld [tilespmem:s18+$0x0]  }
0x31: {  	v1 =	vld [tilespmem:s18+$0xFFFFFFE0];
	s16 =	sor.u32 $0x4000, s14  }
0x32: {  	s31 =	sshrl.u32 s15, $0x2;
	s15 =	sadd.s32 $0x0, s16  }
0x33: {  	s17 =	simm.s32 $0x4;
	s18 =	sadd.s32 $0x40, s18;
	s14 =	sor.u32 $0x4000, s31;
	[tilespmem:s15+$0x1830 ss:$0x81] =	vst.msk $0xffff, v3  }
.LBB1_3:
0x34: {  	v3 =	vld [tilespmem:s18+$0x10];
	p1 =	sne.s32 s17, $0x1FC;
	[tilespmem:s15+$0x810 ss:$0x81] =	vst.msk $0xffff, v2;
	s19 =	smov.u32 s17;
	s17 =	sadd.s32 $0x4, s17  }
.Ltmp3:
0x35: {  	v2 =	vld [tilespmem:s18+$0xFFFFFFF0];
	[tilespmem:s15+$0x1020 ss:$0x81] =	vst.msk $0xffff, v0;
	(pc) =	sbr.rel @p1 .LBB1_3-.Ltmp3, $4  }
0x36: {  	v0 =	vld [tilespmem:s18+$0x0];
	[tilespmem:s15+$0x0 ss:$0x81] =	vst.msk $0xffff, v1  }
0x37: {  	s15 =	sshra.s32 s19, $0x2;
	v1 =	vld [tilespmem:s18+$0xFFFFFFE0]  }
0x38: {  	s15 =	sadd.s32 s15, s16  }
0x39: {  	s18 =	sadd.s32 $0x40, s18;
	[tilespmem:s15+$0x1830 ss:$0x81] =	vst.msk $0xffff, v3  }
.Ltmp4:
0x3a: {  	_ = 	snop;
	(pc) =	sbr.rel .LBB1_4-.Ltmp4, $1  }
0x3b: {  	_ =	sdelay $0x3  }
.LBB1_6:
0x3c: {  	_ =	sfence.sel $0x180000  }
0x3d: {  	s2 =	simm.s32 $0x1;
	[bflag:$0x0] =	sbarrier.arrive $0xFFFF  }
0x3e: {  	s31 =	simm.s32 $0x2;
	[sflag:s2] =	ssyncpa.u1 $0x1  }
0x3f: {  	[sflag:s31] =	ssyncpa.u1 $0x1  }
0x40: {  	p0 =	sne.s32 s0, $0x0;
	_ =	strace $0x9000004A  }
0x41: {  	s0 =	sadd.s32 @!p0 $0x100000, s1;
	[bflag:$0x2] =	sbarrier.arrive $0xFFFF  }
0x42: {  	[sflag:s0] =	ssyncadd.tile.s32 @!p0 $0x1;
	_ =	shalt  }
.Lfunc_end1:
_tile_overlayer_lowered:
.L_overlay_start_2:
0x43: {  	(tag) =	ssettag $0x2  }
0x44: {  	s0 =	rddreg [dreg:$0x0];
	s2 =	stileid.u32  }
0x45: {  	s1 =	rddreg [dreg:$0x1];
	p0 =	sne.s32 s2, $0x0  }
0x46: {  	s3 =	rddreg [dreg:$0x2];
	[bflag:$0x3] =	sbarrier.arrive $0xFFFF;
	s2 =	simm.s32 @!p0 $0x1C01  }
0x47: {  	[timem:s3], [sflag:s2] =	dma.local @!p0 [hbm:s0], s1  }
0x48: {  	s0 =	simm.s32 @!p0 $0x1  }
0x49: {  	_ =	swait.ge @!p0 [sflag:s0], s1  }
0x4a: {  	s1 =	ssub.s32 @!p0 $0x0, s1;
	[sflag:s0] =	ssyncset.done @!p0 $0x0  }
0x4b: {  	[sflag:s0] =	ssyncadd.s32 @!p0 s1  }
0x4c: {  	[bflag:$0x3] =	sbarrier.arrive $0xFFFF  }
0x4d: {  	_ =	shalt  }

</sc_bundles>
